<compile_context>
chip_gen: v7x
topology: tpu7x:2x2x1
jax: 0.10.2.dev20260603
libtpu: 0.0.44.dev20260713+nightly
codegen_flags: <defaults>
</compile_context>

<pallas_src>
import functools

import jax
import jax.numpy as jnp
from jax import lax
from jax.experimental import pallas as pl
from jax.experimental.pallas import tpu as pltpu
from jax.experimental.pallas import tpu_sc as plsc

HALF = 192
NEMB = 32
NW = 32
SLAB = 64
NBUF = 3
NLANE = 16
RPT = (NEMB * NEMB) // 16


def _build_sc_call(s, s_pad):
    n_units = s * 4
    kmax = -(-n_units // NW)
    mesh = plsc.VectorSubcoreMesh(core_axis_name="c", subcore_axis_name="s")

    @functools.partial(
        pl.kernel,
        mesh=mesh,
        out_type=jax.ShapeDtypeStruct((s, s, 2 * HALF), jnp.float32),
        scratch_types=[
            pltpu.VMEM((2 * HALF,), jnp.float32),
            pltpu.VMEM((NEMB * HALF,), jnp.float32),
            pltpu.VMEM((2, 2, s_pad), jnp.int32),
            pltpu.VMEM((SLAB,), jnp.int32),
            pltpu.VMEM((NBUF, SLAB, 2 * HALF), jnp.float32),
            pltpu.VMEM_SHARED((NEMB * NEMB, 2 * HALF), jnp.float32),
            pltpu.SemaphoreType.DMA,
            pltpu.SemaphoreType.DMA,
            pltpu.SemaphoreType.DMA,
        ],
    )
    def sc_fn(xt_hbm, yt_hbm, idx_hbm, out_hbm, xt_v, yt_v,
              st, idx_v, rows, comb_sp, sem_g, sem_w, sem_s):
        sid = lax.axis_index("s")
        wid = sid * 2 + lax.axis_index("c")
        pltpu.sync_copy(xt_hbm.at[pl.ds(sid * 2 * HALF, 2 * HALF)], xt_v)
        pltpu.sync_copy(yt_hbm, yt_v)

        def brow(i, carry):
            a = i // NEMB
            b = i % NEMB
            for k in range(HALF // NLANE):
                rows[0, i, pl.ds(k * NLANE, NLANE)] = (
                    xt_v[pl.ds(a * HALF + k * NLANE, NLANE)])
                rows[0, i, pl.ds(HALF + k * NLANE, NLANE)] = (
                    yt_v[pl.ds(b * HALF + k * NLANE, NLANE)])
            return carry

        lax.fori_loop(0, RPT, brow, 0)
        pltpu.sync_copy(rows.at[0, pl.ds(0, RPT)],
                        comb_sp.at[pl.ds(sid * RPT, RPT)])

        def stage(k):
            plane = (wid + k * NW) // 4
            return pltpu.make_async_copy(idx_hbm.at[plane], st.at[k % 2],
                                         sem_s)

        def stage_wait():
            pltpu.make_async_copy(idx_hbm.at[0], st.at[0], sem_s).wait()

        plsc.subcore_barrier()
        stage(0).start()

        def fill(j0, buf, buf2):
            def idx_grp(j, carry):
                sl = pl.ds(j0 + j * NLANE, NLANE)
                idx_v[pl.ds(j * NLANE, NLANE)] = (
                    st[buf2, 0, sl] * NEMB + st[buf2, 1, sl])
                return carry

            lax.fori_loop(0, SLAB // NLANE, idx_grp, 0)

            def group(g, carry):
                iv = idx_v[pl.ds(g * NLANE, NLANE)]
                for i in range(NLANE):
                    pltpu.async_copy(comb_sp.at[iv[i]],
                                     rows.at[buf, g * NLANE + i], sem_g)
                return carry

            lax.fori_loop(0, SLAB // NLANE, group, 0)
            pltpu.make_async_copy(comb_sp.at[pl.ds(0, SLAB)], rows.at[buf],
                                  sem_g).wait()

        def write_wait():
            pltpu.make_async_copy(rows.at[0],
                                  out_hbm.at[0, pl.ds(0, SLAB)],
                                  sem_w).wait()

        def body(k, carry):
            u = wid + k * NW

            @pl.when(u < n_units)
            def _():
                plane = u // 4
                j0 = (u % 4) * SLAB
                buf = k % NBUF
                stage_wait()

                @pl.when(u + NW < n_units)
                def _():
                    stage(k + 1).start()

                @pl.when(k >= NBUF)
                def _():
                    write_wait()

                fill(j0, buf, k % 2)
                pltpu.make_async_copy(
                    rows.at[buf], out_hbm.at[plane, pl.ds(j0, SLAB)],
                    sem_w).start()

            return carry

        lax.fori_loop(0, kmax, body, 0)
        for _ in range(NBUF):
            write_wait()

    return sc_fn


def _tail_tc(sc_out, x_table, y_table, xcol, ycol):
    s = sc_out.shape[0]

    def body(prev_ref, xt_ref, yt_ref, xc_ref, yc_ref, out_ref):
        del prev_ref
        emb = jax.lax.iota(jnp.int32, NEMB)[None, :]
        ohx = (xc_ref[...] == emb).astype(jnp.float32)
        ohy = (yc_ref[...] == emb).astype(jnp.float32)
        xe = jnp.dot(ohx, xt_ref[...], preferred_element_type=jnp.float32,
                     precision=jax.lax.Precision.HIGHEST)
        ye = jnp.dot(ohy, yt_ref[...], preferred_element_type=jnp.float32,
                     precision=jax.lax.Precision.HIGHEST)
        out_ref[:, 0, :] = jnp.concatenate([xe, ye], axis=-1)

    return pl.pallas_call(
        body,
        grid=(1,),
        in_specs=[
            pl.BlockSpec(memory_space=pltpu.MemorySpace.HBM),
            pl.BlockSpec((NEMB, HALF), lambda i: (0, 0)),
            pl.BlockSpec((NEMB, HALF), lambda i: (0, 0)),
            pl.BlockSpec((s, 1), lambda i: (0, 0)),
            pl.BlockSpec((s, 1), lambda i: (0, 0)),
        ],
        out_specs=pl.BlockSpec((s, 8, 2 * HALF),
                               lambda i: (0, (s - 1) // 8, 0)),
        out_shape=jax.ShapeDtypeStruct((s, s, 2 * HALF), jnp.float32),
        input_output_aliases={0: 0},
    )(sc_out, x_table, y_table, xcol, ycol)


def kernel(x_table, y_table, x_distances, y_distances):
    s = x_distances.shape[0]
    s_pad = -(-s // 8) * 8

    idxsrc = jnp.stack([
        jnp.pad(x_distances, ((0, 0), (0, s_pad - s))),
        jnp.pad(y_distances, ((0, 0), (0, s_pad - s)))], axis=1)

    sc_out = _build_sc_call(s, s_pad)(
        x_table.reshape(-1), y_table.reshape(-1), idxsrc)
    return _tail_tc(sc_out, x_table, y_table,
                    x_distances[:, s - 1][:, None],
                    y_distances[:, s - 1][:, None])

# --- scband reference (transcript-rebuilt; emitter-appended) ---
"""Pipeline reference for scband-relative-position-embedding2-d-32899449487992 (READ-ONLY COPY).

The authoritative reference and input builder live on the scoring server;
editing this copy changes nothing except your own understanding.
"""

import jax, jax.numpy as jnp
import numpy as np

EMBED_DIM = 384
SEQ_LEN = 257
MAX_REL = 15
NUM_EMB = MAX_REL * 2 + 1 + 1  # 32
HALF = EMBED_DIM // 2  # 192


def get_x_positions(n):
    side = int(round(float(n) ** 0.5))
    return jnp.arange(n, dtype=jnp.int32) % side


def get_y_positions(n):
    side = int(round(float(n) ** 0.5))
    return jnp.arange(n, dtype=jnp.int32) // side


def generate_relative1d_distances(positions, max_rel):
    d = positions[None, :] - positions[:, None]
    d = jnp.clip(d, -max_rel, max_rel)
    d = d + max_rel + 1
    d = jnp.pad(d, ((1, 0), (1, 0)), mode='constant', constant_values=0)
    return d.astype(jnp.int32)


def setup_inputs(seed: int = 0) -> dict:
    key = jax.random.key(seed)
    k1, k2 = jax.random.split(key)
    x_table = jax.random.normal(k1, (NUM_EMB, HALF), dtype=jnp.float32)
    y_table = jax.random.normal(k2, (NUM_EMB, HALF), dtype=jnp.float32)
    x_positions = get_x_positions(SEQ_LEN - 1)
    y_positions = get_y_positions(SEQ_LEN - 1)
    x_distances = generate_relative1d_distances(x_positions, MAX_REL)
    y_distances = generate_relative1d_distances(y_positions, MAX_REL)
    return {
        'x_table': x_table,
        'y_table': y_table,
        'x_distances': x_distances,
        'y_distances': y_distances,
    }


def reference(x_table, y_table, x_distances, y_distances):
    x_pos_embedding = jnp.take(x_table, x_distances, axis=0)
    y_pos_embedding = jnp.take(y_table, y_distances, axis=0)
    pos_embedding = jnp.concatenate((x_pos_embedding, y_pos_embedding), axis=-1)
    return pos_embedding

if __name__ == "__main__":
    import jax
    _d = setup_inputs()
    print(jax.jit(kernel)(*tuple(_d.values())))

</pallas_src>

<mosaic_0001>
#map = affine_map<(d0, d1) -> (0)>
#map1 = affine_map<(d0, d1) -> (0, 0, 0)>
module attributes {stable_mosaic.version = 14 : i64} {
  func.func @sc_fn(%arg0: i32, %arg1: i32, %arg2: memref<6144xf32, #tpu.memory_space<hbm>>, %arg3: memref<6144xf32, #tpu.memory_space<hbm>>, %arg4: memref<257x2x264xi32, #tpu.memory_space<hbm>>, %arg5: memref<257x257x384xf32, #tpu.memory_space<hbm>>, %arg6: memref<384xf32, #tpu.memory_space<vmem>>, %arg7: memref<6144xf32, #tpu.memory_space<vmem>>, %arg8: memref<2x2x264xi32, #tpu.memory_space<vmem>>, %arg9: memref<64xi32, #tpu.memory_space<vmem>>, %arg10: memref<3x64x384xf32, #tpu.memory_space<vmem>>, %arg11: memref<1024x384xf32, #tpu.memory_space<vmem_shared>>, %arg12: memref<!tpu.dma_semaphore, #tpu.memory_space<semaphore_mem>>, %arg13: memref<!tpu.dma_semaphore, #tpu.memory_space<semaphore_mem>>, %arg14: memref<!tpu.dma_semaphore, #tpu.memory_space<semaphore_mem>>) attributes {dimension_semantics = [#tpu.dimension_semantics<core_parallel>, #tpu.dimension_semantics<subcore_parallel>], iteration_bounds = array<i64: 2, 16>, scalar_prefetch = 0 : i64, scratch_operands = 9 : i64, tpu.core_type = #tpu.core_type<sc_vector_subcore>, window_params = [{transform_indices = #map}, {transform_indices = #map}, {transform_indices = #map1}, {transform_indices = #map1}]} {
    %mul3A = arith.constant 2 : i32
    %mul3A_0 = arith.muli %arg1, %mul3A : i32
    %add3A = arith.addi %mul3A_0, %arg0 : i32
    %mul3A_1 = arith.constant 2 : i32
    %mul3A_2 = arith.muli %arg1, %mul3A_1 : i32
    %mul3A_3 = arith.constant 192 : i32
    %mul3A_4 = arith.muli %mul3A_2, %mul3A_3 : i32
    "tpu.region"() ({
      %run_scoped3A_105 = tpu.sem_alloc : memref<!tpu.dma_semaphore, #tpu.memory_space<semaphore_mem>>
      %dma_start3A_106 = tpu.memref_slice %arg2[%mul3A_4] : memref<6144xf32, #tpu.memory_space<hbm>> -> memref<384xf32, #tpu.memory_space<hbm>>
      %dma_start3A_107 = tpu.memref_slice %arg2[%mul3A_4] : memref<6144xf32, #tpu.memory_space<hbm>> -> memref<384xf32, #tpu.memory_space<hbm>>
      tpu.enqueue_dma source(%dma_start3A_107 : memref<384xf32, #tpu.memory_space<hbm>>) target(%arg6 : memref<384xf32, #tpu.memory_space<vmem>>) target_semaphore(%run_scoped3A_105 : memref<!tpu.dma_semaphore, #tpu.memory_space<semaphore_mem>>)
      %dma_wait3A_108 = tpu.memref_slice %arg2[%mul3A_4] : memref<6144xf32, #tpu.memory_space<hbm>> -> memref<384xf32, #tpu.memory_space<hbm>>
      %dma_wait3A_109 = tpu.memref_slice %arg2[%mul3A_4] : memref<6144xf32, #tpu.memory_space<hbm>> -> memref<384xf32, #tpu.memory_space<hbm>>
      tpu.wait_dma2 semaphore(%run_scoped3A_105 : memref<!tpu.dma_semaphore, #tpu.memory_space<semaphore_mem>>) src(%dma_wait3A_109 : memref<384xf32, #tpu.memory_space<hbm>>) dst(%arg6 : memref<384xf32, #tpu.memory_space<vmem>>)
      tpu.yield
    }) : () -> ()
    "tpu.region"() ({
      %run_scoped3A_105 = tpu.sem_alloc : memref<!tpu.dma_semaphore, #tpu.memory_space<semaphore_mem>>
      tpu.enqueue_dma source(%arg3 : memref<6144xf32, #tpu.memory_space<hbm>>) target(%arg7 : memref<6144xf32, #tpu.memory_space<vmem>>) target_semaphore(%run_scoped3A_105 : memref<!tpu.dma_semaphore, #tpu.memory_space<semaphore_mem>>)
      tpu.wait_dma2 semaphore(%run_scoped3A_105 : memref<!tpu.dma_semaphore, #tpu.memory_space<semaphore_mem>>) src(%arg3 : memref<6144xf32, #tpu.memory_space<hbm>>) dst(%arg7 : memref<6144xf32, #tpu.memory_space<vmem>>)
      tpu.yield
    }) : () -> ()
    %scan3A = arith.constant 0 : i32
    %scan3A_5 = arith.constant 0 : i32
    %scan3A_6 = arith.constant 64 : i32
    %scan3A_7 = arith.addi %scan3A_5, %scan3A_6 : i32
    %scan3A_8 = arith.constant 1 : i32
    scf.for %scan3A_105 = %scan3A_5 to %scan3A_7 step %scan3A_8  : i32 {
      %jit3A_106 = arith.constant 32 : i32
      %div3A_107 = arith.divsi %scan3A_105, %jit3A_106 : i32
      %sign3A_108 = arith.constant 0 : i32
      %sign3A_109 = arith.cmpi sgt, %scan3A_105, %sign3A_108 : i32
      %sign3A_110 = arith.extui %sign3A_109 : i1 to i32
      %sign3A_111 = arith.constant 0 : i32
      %sign3A_112 = arith.cmpi slt, %scan3A_105, %sign3A_111 : i32
      %sign3A_113 = arith.extui %sign3A_112 : i1 to i32
      %sign3A_114 = arith.subi %sign3A_110, %sign3A_113 : i32
      %sign3A_115 = arith.constant 0 : i32
      %sign3A_116 = arith.cmpi sgt, %jit3A_106, %sign3A_115 : i32
      %sign3A_117 = arith.extui %sign3A_116 : i1 to i32
      %sign3A_118 = arith.constant 0 : i32
      %sign3A_119 = arith.cmpi slt, %jit3A_106, %sign3A_118 : i32
      %sign3A_120 = arith.extui %sign3A_119 : i1 to i32
      %sign3A_121 = arith.subi %sign3A_117, %sign3A_120 : i32
      %ne3A_122 = arith.cmpi ne, %sign3A_114, %sign3A_121 : i32
      %rem3A_123 = arith.remsi %scan3A_105, %jit3A_106 : i32
      %ne3A_124 = arith.constant 0 : i32
      %ne3A_125 = arith.cmpi ne, %rem3A_123, %ne3A_124 : i32
      %and3A_126 = arith.andi %ne3A_122, %ne3A_125 : i1
      %sub3A_127 = arith.constant 1 : i32
      %sub3A_128 = arith.subi %div3A_107, %sub3A_127 : i32
      %select_n3A_129 = arith.select %and3A_126, %sub3A_128, %div3A_107 : i32
      %jit3A_130 = arith.constant 32 : i32
      %eq3A = arith.constant 0 : i32
      %eq3A_131 = arith.cmpi eq, %jit3A_130, %eq3A : i32
      %jit3A_132 = arith.constant 1 : i32
      %select_n3A_133 = arith.select %eq3A_131, %jit3A_132, %jit3A_130 : i32
      %rem3A_134 = arith.remsi %scan3A_105, %select_n3A_133 : i32
      %ne3A_135 = arith.constant 0 : i32
      %ne3A_136 = arith.cmpi ne, %rem3A_134, %ne3A_135 : i32
      %lt3A = arith.constant 0 : i32
      %lt3A_137 = arith.cmpi slt, %rem3A_134, %lt3A : i32
      %lt3A_138 = arith.constant 0 : i32
      %lt3A_139 = arith.cmpi slt, %select_n3A_133, %lt3A_138 : i32
      %ne3A_140 = arith.xori %lt3A_137, %lt3A_139 : i1
      %and3A_141 = arith.andi %ne3A_140, %ne3A_136 : i1
      %add3A_142 = arith.addi %rem3A_134, %select_n3A_133 : i32
      %select_n3A_143 = arith.select %and3A_141, %add3A_142, %rem3A_134 : i32
      %mul3A_144 = arith.constant 192 : i32
      %mul3A_145 = arith.muli %select_n3A_129, %mul3A_144 : i32
      %add3A_146 = arith.constant 0 : i32
      %add3A_147 = arith.addi %mul3A_145, %add3A_146 : i32
      %get3A = arith.index_cast %add3A_147 : i32 to index
      %get3A_148 = tpu.vector_load %arg6[%get3A] {strides = array<i32>} : memref<384xf32, #tpu.memory_space<vmem>>, vector<16xf32>,
      %get3A_149 = vector.shape_cast %get3A_148 : vector<16xf32> to vector<16xf32>
      %swap3A = arith.constant 0 : i32
      %swap3A_150 = arith.index_cast %swap3A : i32 to index
      %swap3A_151 = arith.index_cast %scan3A_105 : i32 to index
      %swap3A_152 = arith.constant 0 : index
      %swap3A_153 = tpu.vector_load %arg10[%swap3A_150, %swap3A_151, %swap3A_152] {strides = array<i32>} : memref<3x64x384xf32, #tpu.memory_space<vmem>>, vector<1x1x16xf32>,
      %swap3A_154 = vector.shape_cast %swap3A_153 : vector<1x1x16xf32> to vector<16xf32>
      %swap3A_155 = vector.shape_cast %get3A_149 : vector<16xf32> to vector<1x1x16xf32>
      tpu.vector_store %arg10[%swap3A_150, %swap3A_151, %swap3A_152], %swap3A_155 {strides = array<i32>} : memref<3x64x384xf32, #tpu.memory_space<vmem>>, vector<1x1x16xf32>,
      %mul3A_156 = arith.constant 192 : i32
      %mul3A_157 = arith.muli %select_n3A_143, %mul3A_156 : i32
      %add3A_158 = arith.constant 0 : i32
      %add3A_159 = arith.addi %mul3A_157, %add3A_158 : i32
      %get3A_160 = arith.index_cast %add3A_159 : i32 to index
      %get3A_161 = tpu.vector_load %arg7[%get3A_160] {strides = array<i32>} : memref<6144xf32, #tpu.memory_space<vmem>>, vector<16xf32>,
      %get3A_162 = vector.shape_cast %get3A_161 : vector<16xf32> to vector<16xf32>
      %swap3A_163 = arith.constant 0 : i32
      %swap3A_164 = arith.index_cast %swap3A_163 : i32 to index
      %swap3A_165 = arith.index_cast %scan3A_105 : i32 to index
      %swap3A_166 = arith.constant 192 : index
      %swap3A_167 = tpu.vector_load %arg10[%swap3A_164, %swap3A_165, %swap3A_166] {strides = array<i32>} : memref<3x64x384xf32, #tpu.memory_space<vmem>>, vector<1x1x16xf32>,
      %swap3A_168 = vector.shape_cast %swap3A_167 : vector<1x1x16xf32> to vector<16xf32>
      %swap3A_169 = vector.shape_cast %get3A_162 : vector<16xf32> to vector<1x1x16xf32>
      tpu.vector_store %arg10[%swap3A_164, %swap3A_165, %swap3A_166], %swap3A_169 {strides = array<i32>} : memref<3x64x384xf32, #tpu.memory_space<vmem>>, vector<1x1x16xf32>,
      %mul3A_170 = arith.constant 192 : i32
      %mul3A_171 = arith.muli %select_n3A_129, %mul3A_170 : i32
      %add3A_172 = arith.constant 16 : i32
      %add3A_173 = arith.addi %mul3A_171, %add3A_172 : i32
      %get3A_174 = arith.index_cast %add3A_173 : i32 to index
      %get3A_175 = tpu.vector_load %arg6[%get3A_174] {strides = array<i32>} : memref<384xf32, #tpu.memory_space<vmem>>, vector<16xf32>,
      %get3A_176 = vector.shape_cast %get3A_175 : vector<16xf32> to vector<16xf32>
      %swap3A_177 = arith.constant 0 : i32
      %swap3A_178 = arith.index_cast %swap3A_177 : i32 to index
      %swap3A_179 = arith.index_cast %scan3A_105 : i32 to index
      %swap3A_180 = arith.constant 16 : index
      %swap3A_181 = tpu.vector_load %arg10[%swap3A_178, %swap3A_179, %swap3A_180] {strides = array<i32>} : memref<3x64x384xf32, #tpu.memory_space<vmem>>, vector<1x1x16xf32>,
      %swap3A_182 = vector.shape_cast %swap3A_181 : vector<1x1x16xf32> to vector<16xf32>
      %swap3A_183 = vector.shape_cast %get3A_176 : vector<16xf32> to vector<1x1x16xf32>
      tpu.vector_store %arg10[%swap3A_178, %swap3A_179, %swap3A_180], %swap3A_183 {strides = array<i32>} : memref<3x64x384xf32, #tpu.memory_space<vmem>>, vector<1x1x16xf32>,
      %mul3A_184 = arith.constant 192 : i32
      %mul3A_185 = arith.muli %select_n3A_143, %mul3A_184 : i32
      %add3A_186 = arith.constant 16 : i32
      %add3A_187 = arith.addi %mul3A_185, %add3A_186 : i32
      %get3A_188 = arith.index_cast %add3A_187 : i32 to index
      %get3A_189 = tpu.vector_load %arg7[%get3A_188] {strides = array<i32>} : memref<6144xf32, #tpu.memory_space<vmem>>, vector<16xf32>,
      %get3A_190 = vector.shape_cast %get3A_189 : vector<16xf32> to vector<16xf32>
      %swap3A_191 = arith.constant 0 : i32
      %swap3A_192 = arith.index_cast %swap3A_191 : i32 to index
      %swap3A_193 = arith.index_cast %scan3A_105 : i32 to index
      %swap3A_194 = arith.constant 208 : index
      %swap3A_195 = tpu.vector_load %arg10[%swap3A_192, %swap3A_193, %swap3A_194] {strides = array<i32>} : memref<3x64x384xf32, #tpu.memory_space<vmem>>, vector<1x1x16xf32>,
      %swap3A_196 = vector.shape_cast %swap3A_195 : vector<1x1x16xf32> to vector<16xf32>
      %swap3A_197 = vector.shape_cast %get3A_190 : vector<16xf32> to vector<1x1x16xf32>
      tpu.vector_store %arg10[%swap3A_192, %swap3A_193, %swap3A_194], %swap3A_197 {strides = array<i32>} : memref<3x64x384xf32, #tpu.memory_space<vmem>>, vector<1x1x16xf32>,
      %mul3A_198 = arith.constant 192 : i32
      %mul3A_199 = arith.muli %select_n3A_129, %mul3A_198 : i32
      %add3A_200 = arith.constant 32 : i32
      %add3A_201 = arith.addi %mul3A_199, %add3A_200 : i32
      %get3A_202 = arith.index_cast %add3A_201 : i32 to index
      %get3A_203 = tpu.vector_load %arg6[%get3A_202] {strides = array<i32>} : memref<384xf32, #tpu.memory_space<vmem>>, vector<16xf32>,
      %get3A_204 = vector.shape_cast %get3A_203 : vector<16xf32> to vector<16xf32>
      %swap3A_205 = arith.constant 0 : i32
      %swap3A_206 = arith.index_cast %swap3A_205 : i32 to index
      %swap3A_207 = arith.index_cast %scan3A_105 : i32 to index
      %swap3A_208 = arith.constant 32 : index
      %swap3A_209 = tpu.vector_load %arg10[%swap3A_206, %swap3A_207, %swap3A_208] {strides = array<i32>} : memref<3x64x384xf32, #tpu.memory_space<vmem>>, vector<1x1x16xf32>,
      %swap3A_210 = vector.shape_cast %swap3A_209 : vector<1x1x16xf32> to vector<16xf32>
      %swap3A_211 = vector.shape_cast %get3A_204 : vector<16xf32> to vector<1x1x16xf32>
      tpu.vector_store %arg10[%swap3A_206, %swap3A_207, %swap3A_208], %swap3A_211 {strides = array<i32>} : memref<3x64x384xf32, #tpu.memory_space<vmem>>, vector<1x1x16xf32>,
      %mul3A_212 = arith.constant 192 : i32
      %mul3A_213 = arith.muli %select_n3A_143, %mul3A_212 : i32
      %add3A_214 = arith.constant 32 : i32
      %add3A_215 = arith.addi %mul3A_213, %add3A_214 : i32
      %get3A_216 = arith.index_cast %add3A_215 : i32 to index
      %get3A_217 = tpu.vector_load %arg7[%get3A_216] {strides = array<i32>} : memref<6144xf32, #tpu.memory_space<vmem>>, vector<16xf32>,
      %get3A_218 = vector.shape_cast %get3A_217 : vector<16xf32> to vector<16xf32>
      %swap3A_219 = arith.constant 0 : i32
      %swap3A_220 = arith.index_cast %swap3A_219 : i32 to index
      %swap3A_221 = arith.index_cast %scan3A_105 : i32 to index
      %swap3A_222 = arith.constant 224 : index
      %swap3A_223 = tpu.vector_load %arg10[%swap3A_220, %swap3A_221, %swap3A_222] {strides = array<i32>} : memref<3x64x384xf32, #tpu.memory_space<vmem>>, vector<1x1x16xf32>,
      %swap3A_224 = vector.shape_cast %swap3A_223 : vector<1x1x16xf32> to vector<16xf32>
      %swap3A_225 = vector.shape_cast %get3A_218 : vector<16xf32> to vector<1x1x16xf32>
      tpu.vector_store %arg10[%swap3A_220, %swap3A_221, %swap3A_222], %swap3A_225 {strides = array<i32>} : memref<3x64x384xf32, #tpu.memory_space<vmem>>, vector<1x1x16xf32>,
      %mul3A_226 = arith.constant 192 : i32
      %mul3A_227 = arith.muli %select_n3A_129, %mul3A_226 : i32
      %add3A_228 = arith.constant 48 : i32
      %add3A_229 = arith.addi %mul3A_227, %add3A_228 : i32
      %get3A_230 = arith.index_cast %add3A_229 : i32 to index
      %get3A_231 = tpu.vector_load %arg6[%get3A_230] {strides = array<i32>} : memref<384xf32, #tpu.memory_space<vmem>>, vector<16xf32>,
      %get3A_232 = vector.shape_cast %get3A_231 : vector<16xf32> to vector<16xf32>
      %swap3A_233 = arith.constant 0 : i32
      %swap3A_234 = arith.index_cast %swap3A_233 : i32 to index
      %swap3A_235 = arith.index_cast %scan3A_105 : i32 to index
      %swap3A_236 = arith.constant 48 : index
      %swap3A_237 = tpu.vector_load %arg10[%swap3A_234, %swap3A_235, %swap3A_236] {strides = array<i32>} : memref<3x64x384xf32, #tpu.memory_space<vmem>>, vector<1x1x16xf32>,
      %swap3A_238 = vector.shape_cast %swap3A_237 : vector<1x1x16xf32> to vector<16xf32>
      %swap3A_239 = vector.shape_cast %get3A_232 : vector<16xf32> to vector<1x1x16xf32>
      tpu.vector_store %arg10[%swap3A_234, %swap3A_235, %swap3A_236], %swap3A_239 {strides = array<i32>} : memref<3x64x384xf32, #tpu.memory_space<vmem>>, vector<1x1x16xf32>,
      %mul3A_240 = arith.constant 192 : i32
      %mul3A_241 = arith.muli %select_n3A_143, %mul3A_240 : i32
      %add3A_242 = arith.constant 48 : i32
      %add3A_243 = arith.addi %mul3A_241, %add3A_242 : i32
      %get3A_244 = arith.index_cast %add3A_243 : i32 to index
      %get3A_245 = tpu.vector_load %arg7[%get3A_244] {strides = array<i32>} : memref<6144xf32, #tpu.memory_space<vmem>>, vector<16xf32>,
      %get3A_246 = vector.shape_cast %get3A_245 : vector<16xf32> to vector<16xf32>
      %swap3A_247 = arith.constant 0 : i32
      %swap3A_248 = arith.index_cast %swap3A_247 : i32 to index
      %swap3A_249 = arith.index_cast %scan3A_105 : i32 to index
      %swap3A_250 = arith.constant 240 : index
      %swap3A_251 = tpu.vector_load %arg10[%swap3A_248, %swap3A_249, %swap3A_250] {strides = array<i32>} : memref<3x64x384xf32, #tpu.memory_space<vmem>>, vector<1x1x16xf32>,
      %swap3A_252 = vector.shape_cast %swap3A_251 : vector<1x1x16xf32> to vector<16xf32>
      %swap3A_253 = vector.shape_cast %get3A_246 : vector<16xf32> to vector<1x1x16xf32>
      tpu.vector_store %arg10[%swap3A_248, %swap3A_249, %swap3A_250], %swap3A_253 {strides = array<i32>} : memref<3x64x384xf32, #tpu.memory_space<vmem>>, vector<1x1x16xf32>,
      %mul3A_254 = arith.constant 192 : i32
      %mul3A_255 = arith.muli %select_n3A_129, %mul3A_254 : i32
      %add3A_256 = arith.constant 64 : i32
      %add3A_257 = arith.addi %mul3A_255, %add3A_256 : i32
      %get3A_258 = arith.index_cast %add3A_257 : i32 to index
      %get3A_259 = tpu.vector_load %arg6[%get3A_258] {strides = array<i32>} : memref<384xf32, #tpu.memory_space<vmem>>, vector<16xf32>,
      %get3A_260 = vector.shape_cast %get3A_259 : vector<16xf32> to vector<16xf32>
      %swap3A_261 = arith.constant 0 : i32
      %swap3A_262 = arith.index_cast %swap3A_261 : i32 to index
      %swap3A_263 = arith.index_cast %scan3A_105 : i32 to index
      %swap3A_264 = arith.constant 64 : index
      %swap3A_265 = tpu.vector_load %arg10[%swap3A_262, %swap3A_263, %swap3A_264] {strides = array<i32>} : memref<3x64x384xf32, #tpu.memory_space<vmem>>, vector<1x1x16xf32>,
      %swap3A_266 = vector.shape_cast %swap3A_265 : vector<1x1x16xf32> to vector<16xf32>
      %swap3A_267 = vector.shape_cast %get3A_260 : vector<16xf32> to vector<1x1x16xf32>
      tpu.vector_store %arg10[%swap3A_262, %swap3A_263, %swap3A_264], %swap3A_267 {strides = array<i32>} : memref<3x64x384xf32, #tpu.memory_space<vmem>>, vector<1x1x16xf32>,
      %mul3A_268 = arith.constant 192 : i32
      %mul3A_269 = arith.muli %select_n3A_143, %mul3A_268 : i32
      %add3A_270 = arith.constant 64 : i32
      %add3A_271 = arith.addi %mul3A_269, %add3A_270 : i32
      %get3A_272 = arith.index_cast %add3A_271 : i32 to index
      %get3A_273 = tpu.vector_load %arg7[%get3A_272] {strides = array<i32>} : memref<6144xf32, #tpu.memory_space<vmem>>, vector<16xf32>,
      %get3A_274 = vector.shape_cast %get3A_273 : vector<16xf32> to vector<16xf32>
      %swap3A_275 = arith.constant 0 : i32
      %swap3A_276 = arith.index_cast %swap3A_275 : i32 to index
      %swap3A_277 = arith.index_cast %scan3A_105 : i32 to index
      %swap3A_278 = arith.constant 256 : index
      %swap3A_279 = tpu.vector_load %arg10[%swap3A_276, %swap3A_277, %swap3A_278] {strides = array<i32>} : memref<3x64x384xf32, #tpu.memory_space<vmem>>, vector<1x1x16xf32>,
      %swap3A_280 = vector.shape_cast %swap3A_279 : vector<1x1x16xf32> to vector<16xf32>
      %swap3A_281 = vector.shape_cast %get3A_274 : vector<16xf32> to vector<1x1x16xf32>
      tpu.vector_store %arg10[%swap3A_276, %swap3A_277, %swap3A_278], %swap3A_281 {strides = array<i32>} : memref<3x64x384xf32, #tpu.memory_space<vmem>>, vector<1x1x16xf32>,
      %mul3A_282 = arith.constant 192 : i32
      %mul3A_283 = arith.muli %select_n3A_129, %mul3A_282 : i32
      %add3A_284 = arith.constant 80 : i32
      %add3A_285 = arith.addi %mul3A_283, %add3A_284 : i32
      %get3A_286 = arith.index_cast %add3A_285 : i32 to index
      %get3A_287 = tpu.vector_load %arg6[%get3A_286] {strides = array<i32>} : memref<384xf32, #tpu.memory_space<vmem>>, vector<16xf32>,
      %get3A_288 = vector.shape_cast %get3A_287 : vector<16xf32> to vector<16xf32>
      %swap3A_289 = arith.constant 0 : i32
      %swap3A_290 = arith.index_cast %swap3A_289 : i32 to index
      %swap3A_291 = arith.index_cast %scan3A_105 : i32 to index
      %swap3A_292 = arith.constant 80 : index
      %swap3A_293 = tpu.vector_load %arg10[%swap3A_290, %swap3A_291, %swap3A_292] {strides = array<i32>} : memref<3x64x384xf32, #tpu.memory_space<vmem>>, vector<1x1x16xf32>,
      %swap3A_294 = vector.shape_cast %swap3A_293 : vector<1x1x16xf32> to vector<16xf32>
      %swap3A_295 = vector.shape_cast %get3A_288 : vector<16xf32> to vector<1x1x16xf32>
      tpu.vector_store %arg10[%swap3A_290, %swap3A_291, %swap3A_292], %swap3A_295 {strides = array<i32>} : memref<3x64x384xf32, #tpu.memory_space<vmem>>, vector<1x1x16xf32>,
      %mul3A_296 = arith.constant 192 : i32
      %mul3A_297 = arith.muli %select_n3A_143, %mul3A_296 : i32
      %add3A_298 = arith.constant 80 : i32
      %add3A_299 = arith.addi %mul3A_297, %add3A_298 : i32
      %get3A_300 = arith.index_cast %add3A_299 : i32 to index
      %get3A_301 = tpu.vector_load %arg7[%get3A_300] {strides = array<i32>} : memref<6144xf32, #tpu.memory_space<vmem>>, vector<16xf32>,
      %get3A_302 = vector.shape_cast %get3A_301 : vector<16xf32> to vector<16xf32>
      %swap3A_303 = arith.constant 0 : i32
      %swap3A_304 = arith.index_cast %swap3A_303 : i32 to index
      %swap3A_305 = arith.index_cast %scan3A_105 : i32 to index
      %swap3A_306 = arith.constant 272 : index
      %swap3A_307 = tpu.vector_load %arg10[%swap3A_304, %swap3A_305, %swap3A_306] {strides = array<i32>} : memref<3x64x384xf32, #tpu.memory_space<vmem>>, vector<1x1x16xf32>,
      %swap3A_308 = vector.shape_cast %swap3A_307 : vector<1x1x16xf32> to vector<16xf32>
      %swap3A_309 = vector.shape_cast %get3A_302 : vector<16xf32> to vector<1x1x16xf32>
      tpu.vector_store %arg10[%swap3A_304, %swap3A_305, %swap3A_306], %swap3A_309 {strides = array<i32>} : memref<3x64x384xf32, #tpu.memory_space<vmem>>, vector<1x1x16xf32>,
      %mul3A_310 = arith.constant 192 : i32
      %mul3A_311 = arith.muli %select_n3A_129, %mul3A_310 : i32
      %add3A_312 = arith.constant 96 : i32
      %add3A_313 = arith.addi %mul3A_311, %add3A_312 : i32
      %get3A_314 = arith.index_cast %add3A_313 : i32 to index
      %get3A_315 = tpu.vector_load %arg6[%get3A_314] {strides = array<i32>} : memref<384xf32, #tpu.memory_space<vmem>>, vector<16xf32>,
      %get3A_316 = vector.shape_cast %get3A_315 : vector<16xf32> to vector<16xf32>
      %swap3A_317 = arith.constant 0 : i32
      %swap3A_318 = arith.index_cast %swap3A_317 : i32 to index
      %swap3A_319 = arith.index_cast %scan3A_105 : i32 to index
      %swap3A_320 = arith.constant 96 : index
      %swap3A_321 = tpu.vector_load %arg10[%swap3A_318, %swap3A_319, %swap3A_320] {strides = array<i32>} : memref<3x64x384xf32, #tpu.memory_space<vmem>>, vector<1x1x16xf32>,
      %swap3A_322 = vector.shape_cast %swap3A_321 : vector<1x1x16xf32> to vector<16xf32>
      %swap3A_323 = vector.shape_cast %get3A_316 : vector<16xf32> to vector<1x1x16xf32>
      tpu.vector_store %arg10[%swap3A_318, %swap3A_319, %swap3A_320], %swap3A_323 {strides = array<i32>} : memref<3x64x384xf32, #tpu.memory_space<vmem>>, vector<1x1x16xf32>,
      %mul3A_324 = arith.constant 192 : i32
      %mul3A_325 = arith.muli %select_n3A_143, %mul3A_324 : i32
      %add3A_326 = arith.constant 96 : i32
      %add3A_327 = arith.addi %mul3A_325, %add3A_326 : i32
      %get3A_328 = arith.index_cast %add3A_327 : i32 to index
      %get3A_329 = tpu.vector_load %arg7[%get3A_328] {strides = array<i32>} : memref<6144xf32, #tpu.memory_space<vmem>>, vector<16xf32>,
      %get3A_330 = vector.shape_cast %get3A_329 : vector<16xf32> to vector<16xf32>
      %swap3A_331 = arith.constant 0 : i32
      %swap3A_332 = arith.index_cast %swap3A_331 : i32 to index
      %swap3A_333 = arith.index_cast %scan3A_105 : i32 to index
      %swap3A_334 = arith.constant 288 : index
      %swap3A_335 = tpu.vector_load %arg10[%swap3A_332, %swap3A_333, %swap3A_334] {strides = array<i32>} : memref<3x64x384xf32, #tpu.memory_space<vmem>>, vector<1x1x16xf32>,
      %swap3A_336 = vector.shape_cast %swap3A_335 : vector<1x1x16xf32> to vector<16xf32>
      %swap3A_337 = vector.shape_cast %get3A_330 : vector<16xf32> to vector<1x1x16xf32>
      tpu.vector_store %arg10[%swap3A_332, %swap3A_333, %swap3A_334], %swap3A_337 {strides = array<i32>} : memref<3x64x384xf32, #tpu.memory_space<vmem>>, vector<1x1x16xf32>,
      %mul3A_338 = arith.constant 192 : i32
      %mul3A_339 = arith.muli %select_n3A_129, %mul3A_338 : i32
      %add3A_340 = arith.constant 112 : i32
      %add3A_341 = arith.addi %mul3A_339, %add3A_340 : i32
      %get3A_342 = arith.index_cast %add3A_341 : i32 to index
      %get3A_343 = tpu.vector_load %arg6[%get3A_342] {strides = array<i32>} : memref<384xf32, #tpu.memory_space<vmem>>, vector<16xf32>,
      %get3A_344 = vector.shape_cast %get3A_343 : vector<16xf32> to vector<16xf32>
      %swap3A_345 = arith.constant 0 : i32
      %swap3A_346 = arith.index_cast %swap3A_345 : i32 to index
      %swap3A_347 = arith.index_cast %scan3A_105 : i32 to index
      %swap3A_348 = arith.constant 112 : index
      %swap3A_349 = tpu.vector_load %arg10[%swap3A_346, %swap3A_347, %swap3A_348] {strides = array<i32>} : memref<3x64x384xf32, #tpu.memory_space<vmem>>, vector<1x1x16xf32>,
      %swap3A_350 = vector.shape_cast %swap3A_349 : vector<1x1x16xf32> to vector<16xf32>
      %swap3A_351 = vector.shape_cast %get3A_344 : vector<16xf32> to vector<1x1x16xf32>
      tpu.vector_store %arg10[%swap3A_346, %swap3A_347, %swap3A_348], %swap3A_351 {strides = array<i32>} : memref<3x64x384xf32, #tpu.memory_space<vmem>>, vector<1x1x16xf32>,
      %mul3A_352 = arith.constant 192 : i32
      %mul3A_353 = arith.muli %select_n3A_143, %mul3A_352 : i32
      %add3A_354 = arith.constant 112 : i32
      %add3A_355 = arith.addi %mul3A_353, %add3A_354 : i32
      %get3A_356 = arith.index_cast %add3A_355 : i32 to index
      %get3A_357 = tpu.vector_load %arg7[%get3A_356] {strides = array<i32>} : memref<6144xf32, #tpu.memory_space<vmem>>, vector<16xf32>,
      %get3A_358 = vector.shape_cast %get3A_357 : vector<16xf32> to vector<16xf32>
      %swap3A_359 = arith.constant 0 : i32
      %swap3A_360 = arith.index_cast %swap3A_359 : i32 to index
      %swap3A_361 = arith.index_cast %scan3A_105 : i32 to index
      %swap3A_362 = arith.constant 304 : index
      %swap3A_363 = tpu.vector_load %arg10[%swap3A_360, %swap3A_361, %swap3A_362] {strides = array<i32>} : memref<3x64x384xf32, #tpu.memory_space<vmem>>, vector<1x1x16xf32>,
      %swap3A_364 = vector.shape_cast %swap3A_363 : vector<1x1x16xf32> to vector<16xf32>
      %swap3A_365 = vector.shape_cast %get3A_358 : vector<16xf32> to vector<1x1x16xf32>
      tpu.vector_store %arg10[%swap3A_360, %swap3A_361, %swap3A_362], %swap3A_365 {strides = array<i32>} : memref<3x64x384xf32, #tpu.memory_space<vmem>>, vector<1x1x16xf32>,
      %mul3A_366 = arith.constant 192 : i32
      %mul3A_367 = arith.muli %select_n3A_129, %mul3A_366 : i32
      %add3A_368 = arith.constant 128 : i32
      %add3A_369 = arith.addi %mul3A_367, %add3A_368 : i32
      %get3A_370 = arith.index_cast %add3A_369 : i32 to index
      %get3A_371 = tpu.vector_load %arg6[%get3A_370] {strides = array<i32>} : memref<384xf32, #tpu.memory_space<vmem>>, vector<16xf32>,
      %get3A_372 = vector.shape_cast %get3A_371 : vector<16xf32> to vector<16xf32>
      %swap3A_373 = arith.constant 0 : i32
      %swap3A_374 = arith.index_cast %swap3A_373 : i32 to index
      %swap3A_375 = arith.index_cast %scan3A_105 : i32 to index
      %swap3A_376 = arith.constant 128 : index
      %swap3A_377 = tpu.vector_load %arg10[%swap3A_374, %swap3A_375, %swap3A_376] {strides = array<i32>} : memref<3x64x384xf32, #tpu.memory_space<vmem>>, vector<1x1x16xf32>,
      %swap3A_378 = vector.shape_cast %swap3A_377 : vector<1x1x16xf32> to vector<16xf32>
      %swap3A_379 = vector.shape_cast %get3A_372 : vector<16xf32> to vector<1x1x16xf32>
      tpu.vector_store %arg10[%swap3A_374, %swap3A_375, %swap3A_376], %swap3A_379 {strides = array<i32>} : memref<3x64x384xf32, #tpu.memory_space<vmem>>, vector<1x1x16xf32>,
      %mul3A_380 = arith.constant 192 : i32
      %mul3A_381 = arith.muli %select_n3A_143, %mul3A_380 : i32
      %add3A_382 = arith.constant 128 : i32
      %add3A_383 = arith.addi %mul3A_381, %add3A_382 : i32
      %get3A_384 = arith.index_cast %add3A_383 : i32 to index
      %get3A_385 = tpu.vector_load %arg7[%get3A_384] {strides = array<i32>} : memref<6144xf32, #tpu.memory_space<vmem>>, vector<16xf32>,
      %get3A_386 = vector.shape_cast %get3A_385 : vector<16xf32> to vector<16xf32>
      %swap3A_387 = arith.constant 0 : i32
      %swap3A_388 = arith.index_cast %swap3A_387 : i32 to index
      %swap3A_389 = arith.index_cast %scan3A_105 : i32 to index
      %swap3A_390 = arith.constant 320 : index
      %swap3A_391 = tpu.vector_load %arg10[%swap3A_388, %swap3A_389, %swap3A_390] {strides = array<i32>} : memref<3x64x384xf32, #tpu.memory_space<vmem>>, vector<1x1x16xf32>,
      %swap3A_392 = vector.shape_cast %swap3A_391 : vector<1x1x16xf32> to vector<16xf32>
      %swap3A_393 = vector.shape_cast %get3A_386 : vector<16xf32> to vector<1x1x16xf32>
      tpu.vector_store %arg10[%swap3A_388, %swap3A_389, %swap3A_390], %swap3A_393 {strides = array<i32>} : memref<3x64x384xf32, #tpu.memory_space<vmem>>, vector<1x1x16xf32>,
      %mul3A_394 = arith.constant 192 : i32
      %mul3A_395 = arith.muli %select_n3A_129, %mul3A_394 : i32
      %add3A_396 = arith.constant 144 : i32
      %add3A_397 = arith.addi %mul3A_395, %add3A_396 : i32
      %get3A_398 = arith.index_cast %add3A_397 : i32 to index
      %get3A_399 = tpu.vector_load %arg6[%get3A_398] {strides = array<i32>} : memref<384xf32, #tpu.memory_space<vmem>>, vector<16xf32>,
      %get3A_400 = vector.shape_cast %get3A_399 : vector<16xf32> to vector<16xf32>
      %swap3A_401 = arith.constant 0 : i32
      %swap3A_402 = arith.index_cast %swap3A_401 : i32 to index
      %swap3A_403 = arith.index_cast %scan3A_105 : i32 to index
      %swap3A_404 = arith.constant 144 : index
      %swap3A_405 = tpu.vector_load %arg10[%swap3A_402, %swap3A_403, %swap3A_404] {strides = array<i32>} : memref<3x64x384xf32, #tpu.memory_space<vmem>>, vector<1x1x16xf32>,
      %swap3A_406 = vector.shape_cast %swap3A_405 : vector<1x1x16xf32> to vector<16xf32>
      %swap3A_407 = vector.shape_cast %get3A_400 : vector<16xf32> to vector<1x1x16xf32>
      tpu.vector_store %arg10[%swap3A_402, %swap3A_403, %swap3A_404], %swap3A_407 {strides = array<i32>} : memref<3x64x384xf32, #tpu.memory_space<vmem>>, vector<1x1x16xf32>,
      %mul3A_408 = arith.constant 192 : i32
      %mul3A_409 = arith.muli %select_n3A_143, %mul3A_408 : i32
      %add3A_410 = arith.constant 144 : i32
      %add3A_411 = arith.addi %mul3A_409, %add3A_410 : i32
      %get3A_412 = arith.index_cast %add3A_411 : i32 to index
      %get3A_413 = tpu.vector_load %arg7[%get3A_412] {strides = array<i32>} : memref<6144xf32, #tpu.memory_space<vmem>>, vector<16xf32>,
      %get3A_414 = vector.shape_cast %get3A_413 : vector<16xf32> to vector<16xf32>
      %swap3A_415 = arith.constant 0 : i32
      %swap3A_416 = arith.index_cast %swap3A_415 : i32 to index
      %swap3A_417 = arith.index_cast %scan3A_105 : i32 to index
      %swap3A_418 = arith.constant 336 : index
      %swap3A_419 = tpu.vector_load %arg10[%swap3A_416, %swap3A_417, %swap3A_418] {strides = array<i32>} : memref<3x64x384xf32, #tpu.memory_space<vmem>>, vector<1x1x16xf32>,
      %swap3A_420 = vector.shape_cast %swap3A_419 : vector<1x1x16xf32> to vector<16xf32>
      %swap3A_421 = vector.shape_cast %get3A_414 : vector<16xf32> to vector<1x1x16xf32>
      tpu.vector_store %arg10[%swap3A_416, %swap3A_417, %swap3A_418], %swap3A_421 {strides = array<i32>} : memref<3x64x384xf32, #tpu.memory_space<vmem>>, vector<1x1x16xf32>,
      %mul3A_422 = arith.constant 192 : i32
      %mul3A_423 = arith.muli %select_n3A_129, %mul3A_422 : i32
      %add3A_424 = arith.constant 160 : i32
      %add3A_425 = arith.addi %mul3A_423, %add3A_424 : i32
      %get3A_426 = arith.index_cast %add3A_425 : i32 to index
      %get3A_427 = tpu.vector_load %arg6[%get3A_426] {strides = array<i32>} : memref<384xf32, #tpu.memory_space<vmem>>, vector<16xf32>,
      %get3A_428 = vector.shape_cast %get3A_427 : vector<16xf32> to vector<16xf32>
      %swap3A_429 = arith.constant 0 : i32
      %swap3A_430 = arith.index_cast %swap3A_429 : i32 to index
      %swap3A_431 = arith.index_cast %scan3A_105 : i32 to index
      %swap3A_432 = arith.constant 160 : index
      %swap3A_433 = tpu.vector_load %arg10[%swap3A_430, %swap3A_431, %swap3A_432] {strides = array<i32>} : memref<3x64x384xf32, #tpu.memory_space<vmem>>, vector<1x1x16xf32>,
      %swap3A_434 = vector.shape_cast %swap3A_433 : vector<1x1x16xf32> to vector<16xf32>
      %swap3A_435 = vector.shape_cast %get3A_428 : vector<16xf32> to vector<1x1x16xf32>
      tpu.vector_store %arg10[%swap3A_430, %swap3A_431, %swap3A_432], %swap3A_435 {strides = array<i32>} : memref<3x64x384xf32, #tpu.memory_space<vmem>>, vector<1x1x16xf32>,
      %mul3A_436 = arith.constant 192 : i32
      %mul3A_437 = arith.muli %select_n3A_143, %mul3A_436 : i32
      %add3A_438 = arith.constant 160 : i32
      %add3A_439 = arith.addi %mul3A_437, %add3A_438 : i32
      %get3A_440 = arith.index_cast %add3A_439 : i32 to index
      %get3A_441 = tpu.vector_load %arg7[%get3A_440] {strides = array<i32>} : memref<6144xf32, #tpu.memory_space<vmem>>, vector<16xf32>,
      %get3A_442 = vector.shape_cast %get3A_441 : vector<16xf32> to vector<16xf32>
      %swap3A_443 = arith.constant 0 : i32
      %swap3A_444 = arith.index_cast %swap3A_443 : i32 to index
      %swap3A_445 = arith.index_cast %scan3A_105 : i32 to index
      %swap3A_446 = arith.constant 352 : index
      %swap3A_447 = tpu.vector_load %arg10[%swap3A_444, %swap3A_445, %swap3A_446] {strides = array<i32>} : memref<3x64x384xf32, #tpu.memory_space<vmem>>, vector<1x1x16xf32>,
      %swap3A_448 = vector.shape_cast %swap3A_447 : vector<1x1x16xf32> to vector<16xf32>
      %swap3A_449 = vector.shape_cast %get3A_442 : vector<16xf32> to vector<1x1x16xf32>
      tpu.vector_store %arg10[%swap3A_444, %swap3A_445, %swap3A_446], %swap3A_449 {strides = array<i32>} : memref<3x64x384xf32, #tpu.memory_space<vmem>>, vector<1x1x16xf32>,
      %mul3A_450 = arith.constant 192 : i32
      %mul3A_451 = arith.muli %select_n3A_129, %mul3A_450 : i32
      %add3A_452 = arith.constant 176 : i32
      %add3A_453 = arith.addi %mul3A_451, %add3A_452 : i32
      %get3A_454 = arith.index_cast %add3A_453 : i32 to index
      %get3A_455 = tpu.vector_load %arg6[%get3A_454] {strides = array<i32>} : memref<384xf32, #tpu.memory_space<vmem>>, vector<16xf32>,
      %get3A_456 = vector.shape_cast %get3A_455 : vector<16xf32> to vector<16xf32>
      %swap3A_457 = arith.constant 0 : i32
      %swap3A_458 = arith.index_cast %swap3A_457 : i32 to index
      %swap3A_459 = arith.index_cast %scan3A_105 : i32 to index
      %swap3A_460 = arith.constant 176 : index
      %swap3A_461 = tpu.vector_load %arg10[%swap3A_458, %swap3A_459, %swap3A_460] {strides = array<i32>} : memref<3x64x384xf32, #tpu.memory_space<vmem>>, vector<1x1x16xf32>,
      %swap3A_462 = vector.shape_cast %swap3A_461 : vector<1x1x16xf32> to vector<16xf32>
      %swap3A_463 = vector.shape_cast %get3A_456 : vector<16xf32> to vector<1x1x16xf32>
      tpu.vector_store %arg10[%swap3A_458, %swap3A_459, %swap3A_460], %swap3A_463 {strides = array<i32>} : memref<3x64x384xf32, #tpu.memory_space<vmem>>, vector<1x1x16xf32>,
      %mul3A_464 = arith.constant 192 : i32
      %mul3A_465 = arith.muli %select_n3A_143, %mul3A_464 : i32
      %add3A_466 = arith.constant 176 : i32
      %add3A_467 = arith.addi %mul3A_465, %add3A_466 : i32
      %get3A_468 = arith.index_cast %add3A_467 : i32 to index
      %get3A_469 = tpu.vector_load %arg7[%get3A_468] {strides = array<i32>} : memref<6144xf32, #tpu.memory_space<vmem>>, vector<16xf32>,
      %get3A_470 = vector.shape_cast %get3A_469 : vector<16xf32> to vector<16xf32>
      %swap3A_471 = arith.constant 0 : i32
      %swap3A_472 = arith.index_cast %swap3A_471 : i32 to index
      %swap3A_473 = arith.index_cast %scan3A_105 : i32 to index
      %swap3A_474 = arith.constant 368 : index
      %swap3A_475 = tpu.vector_load %arg10[%swap3A_472, %swap3A_473, %swap3A_474] {strides = array<i32>} : memref<3x64x384xf32, #tpu.memory_space<vmem>>, vector<1x1x16xf32>,
      %swap3A_476 = vector.shape_cast %swap3A_475 : vector<1x1x16xf32> to vector<16xf32>
      %swap3A_477 = vector.shape_cast %get3A_470 : vector<16xf32> to vector<1x1x16xf32>
      tpu.vector_store %arg10[%swap3A_472, %swap3A_473, %swap3A_474], %swap3A_477 {strides = array<i32>} : memref<3x64x384xf32, #tpu.memory_space<vmem>>, vector<1x1x16xf32>,
    }
    %scan3A_9 = arith.constant 64 : i32
    %mul3A_10 = arith.constant 64 : i32
    %mul3A_11 = arith.muli %arg1, %mul3A_10 : i32
    %run_scoped3A = arith.constant 0 : i32
    "tpu.region"() ({
      %run_scoped3A_105 = tpu.sem_alloc : memref<!tpu.dma_semaphore, #tpu.memory_space<semaphore_mem>>
      %dma_start3A_106 = arith.constant 0 : i32
      %dma_start3A_107 = arith.constant 0 : i32
      %dma_start3A_108 = tpu.memref_slice %arg10[%run_scoped3A, %dma_start3A_106, %dma_start3A_107] : memref<3x64x384xf32, #tpu.memory_space<vmem>> -> memref<1x64x384xf32, #tpu.memory_space<vmem>>
      %dma_start3A_109 = tpu.memref_squeeze %dma_start3A_108 : memref<1x64x384xf32, #tpu.memory_space<vmem>> -> memref<64x384xf32, #tpu.memory_space<vmem>>
      %dma_start3A_110 = arith.constant 0 : i32
      %dma_start3A_111 = tpu.memref_slice %arg11[%mul3A_11, %dma_start3A_110] : memref<1024x384xf32, #tpu.memory_space<vmem_shared>> -> memref<64x384xf32, #tpu.memory_space<vmem_shared>>
      %dma_start3A_112 = arith.constant 0 : i32
      %dma_start3A_113 = tpu.memref_slice %arg11[%mul3A_11, %dma_start3A_112] : memref<1024x384xf32, #tpu.memory_space<vmem_shared>> -> memref<64x384xf32, #tpu.memory_space<vmem_shared>>
      %dma_start3A_114 = arith.constant 0 : i32
      %dma_start3A_115 = arith.constant 0 : i32
      %dma_start3A_116 = tpu.memref_slice %arg10[%run_scoped3A, %dma_start3A_114, %dma_start3A_115] : memref<3x64x384xf32, #tpu.memory_space<vmem>> -> memref<1x64x384xf32, #tpu.memory_space<vmem>>
      %dma_start3A_117 = tpu.memref_squeeze %dma_start3A_116 : memref<1x64x384xf32, #tpu.memory_space<vmem>> -> memref<64x384xf32, #tpu.memory_space<vmem>>
      tpu.enqueue_dma source(%dma_start3A_117 : memref<64x384xf32, #tpu.memory_space<vmem>>) target(%dma_start3A_113 : memref<64x384xf32, #tpu.memory_space<vmem_shared>>) target_semaphore(%run_scoped3A_105 : memref<!tpu.dma_semaphore, #tpu.memory_space<semaphore_mem>>)
      %dma_wait3A_118 = arith.constant 0 : i32
      %dma_wait3A_119 = arith.constant 0 : i32
      %dma_wait3A_120 = tpu.memref_slice %arg10[%run_scoped3A, %dma_wait3A_118, %dma_wait3A_119] : memref<3x64x384xf32, #tpu.memory_space<vmem>> -> memref<1x64x384xf32, #tpu.memory_space<vmem>>
      %dma_wait3A_121 = tpu.memref_squeeze %dma_wait3A_120 : memref<1x64x384xf32, #tpu.memory_space<vmem>> -> memref<64x384xf32, #tpu.memory_space<vmem>>
      %dma_wait3A_122 = arith.constant 0 : i32
      %dma_wait3A_123 = tpu.memref_slice %arg11[%mul3A_11, %dma_wait3A_122] : memref<1024x384xf32, #tpu.memory_space<vmem_shared>> -> memref<64x384xf32, #tpu.memory_space<vmem_shared>>
      %dma_wait3A_124 = arith.constant 0 : i32
      %dma_wait3A_125 = tpu.memref_slice %arg11[%mul3A_11, %dma_wait3A_124] : memref<1024x384xf32, #tpu.memory_space<vmem_shared>> -> memref<64x384xf32, #tpu.memory_space<vmem_shared>>
      %dma_wait3A_126 = arith.constant 0 : i32
      %dma_wait3A_127 = arith.constant 0 : i32
      %dma_wait3A_128 = tpu.memref_slice %arg10[%run_scoped3A, %dma_wait3A_126, %dma_wait3A_127] : memref<3x64x384xf32, #tpu.memory_space<vmem>> -> memref<1x64x384xf32, #tpu.memory_space<vmem>>
      %dma_wait3A_129 = tpu.memref_squeeze %dma_wait3A_128 : memref<1x64x384xf32, #tpu.memory_space<vmem>> -> memref<64x384xf32, #tpu.memory_space<vmem>>
      tpu.wait_dma2 semaphore(%run_scoped3A_105 : memref<!tpu.dma_semaphore, #tpu.memory_space<semaphore_mem>>) src(%dma_wait3A_129 : memref<64x384xf32, #tpu.memory_space<vmem>>) dst(%dma_wait3A_125 : memref<64x384xf32, #tpu.memory_space<vmem_shared>>)
      tpu.yield
    }) : () -> ()
    %barrier3A = arith.constant 0 : index
    tpu.barrier barrier_id(%barrier3A)
    %add3A_12 = arith.constant 0 : i32
    %add3A_13 = arith.addi %add3A, %add3A_12 : i32
    %jit3A = arith.constant 4 : i32
    %div3A = arith.divsi %add3A_13, %jit3A : i32
    %sign3A = arith.constant 0 : i32
    %sign3A_14 = arith.cmpi sgt, %add3A_13, %sign3A : i32
    %sign3A_15 = arith.extui %sign3A_14 : i1 to i32
    %sign3A_16 = arith.constant 0 : i32
    %sign3A_17 = arith.cmpi slt, %add3A_13, %sign3A_16 : i32
    %sign3A_18 = arith.extui %sign3A_17 : i1 to i32
    %sign3A_19 = arith.subi %sign3A_15, %sign3A_18 : i32
    %sign3A_20 = arith.constant 0 : i32
    %sign3A_21 = arith.cmpi sgt, %jit3A, %sign3A_20 : i32
    %sign3A_22 = arith.extui %sign3A_21 : i1 to i32
    %sign3A_23 = arith.constant 0 : i32
    %sign3A_24 = arith.cmpi slt, %jit3A, %sign3A_23 : i32
    %sign3A_25 = arith.extui %sign3A_24 : i1 to i32
    %sign3A_26 = arith.subi %sign3A_22, %sign3A_25 : i32
    %ne3A = arith.cmpi ne, %sign3A_19, %sign3A_26 : i32
    %rem3A = arith.remsi %add3A_13, %jit3A : i32
    %ne3A_27 = arith.constant 0 : i32
    %ne3A_28 = arith.cmpi ne, %rem3A, %ne3A_27 : i32
    %and3A = arith.andi %ne3A, %ne3A_28 : i1
    %sub3A = arith.constant 1 : i32
    %sub3A_29 = arith.subi %div3A, %sub3A : i32
    %select_n3A = arith.select %and3A, %sub3A_29, %div3A : i32
    %dma_start3A = arith.constant 0 : i32
    %dma_start3A_30 = arith.constant 0 : i32
    %dma_start3A_31 = arith.constant 0 : i32
    %dma_start3A_32 = tpu.memref_slice %arg8[%dma_start3A, %dma_start3A_30, %dma_start3A_31] : memref<2x2x264xi32, #tpu.memory_space<vmem>> -> memref<1x2x264xi32, #tpu.memory_space<vmem>>
    %dma_start3A_33 = tpu.memref_squeeze %dma_start3A_32 : memref<1x2x264xi32, #tpu.memory_space<vmem>> -> memref<2x264xi32, #tpu.memory_space<vmem>>
    %dma_start3A_34 = arith.constant 0 : i32
    %dma_start3A_35 = arith.constant 0 : i32
    %dma_start3A_36 = tpu.memref_slice %arg4[%select_n3A, %dma_start3A_34, %dma_start3A_35] : memref<257x2x264xi32, #tpu.memory_space<hbm>> -> memref<1x2x264xi32, #tpu.memory_space<hbm>>
    %dma_start3A_37 = tpu.memref_squeeze %dma_start3A_36 : memref<1x2x264xi32, #tpu.memory_space<hbm>> -> memref<2x264xi32, #tpu.memory_space<hbm>>
    %dma_start3A_38 = arith.constant 0 : i32
    %dma_start3A_39 = arith.constant 0 : i32
    %dma_start3A_40 = tpu.memref_slice %arg8[%dma_start3A, %dma_start3A_38, %dma_start3A_39] : memref<2x2x264xi32, #tpu.memory_space<vmem>> -> memref<1x2x264xi32, #tpu.memory_space<vmem>>
    %dma_start3A_41 = tpu.memref_squeeze %dma_start3A_40 : memref<1x2x264xi32, #tpu.memory_space<vmem>> -> memref<2x264xi32, #tpu.memory_space<vmem>>
    %dma_start3A_42 = arith.constant 0 : i32
    %dma_start3A_43 = arith.constant 0 : i32
    %dma_start3A_44 = tpu.memref_slice %arg4[%select_n3A, %dma_start3A_42, %dma_start3A_43] : memref<257x2x264xi32, #tpu.memory_space<hbm>> -> memref<1x2x264xi32, #tpu.memory_space<hbm>>
    %dma_start3A_45 = tpu.memref_squeeze %dma_start3A_44 : memref<1x2x264xi32, #tpu.memory_space<hbm>> -> memref<2x264xi32, #tpu.memory_space<hbm>>
    tpu.enqueue_dma source(%dma_start3A_45 : memref<2x264xi32, #tpu.memory_space<hbm>>) target(%dma_start3A_41 : memref<2x264xi32, #tpu.memory_space<vmem>>) target_semaphore(%arg14 : memref<!tpu.dma_semaphore, #tpu.memory_space<semaphore_mem>>)
    %scan3A_46 = arith.constant 0 : i32
    %scan3A_47 = arith.constant 0 : i32
    %scan3A_48 = arith.constant 33 : i32
    %scan3A_49 = arith.addi %scan3A_47, %scan3A_48 : i32
    %scan3A_50 = arith.constant 1 : i32
    scf.for %scan3A_105 = %scan3A_47 to %scan3A_49 step %scan3A_50  : i32 {
      %mul3A_106 = arith.constant 32 : i32
      %mul3A_107 = arith.muli %scan3A_105, %mul3A_106 : i32
      %add3A_108 = arith.addi %add3A, %mul3A_107 : i32
      %lt3A = arith.constant 1028 : i32
      %lt3A_109 = arith.cmpi slt, %add3A_108, %lt3A : i32
      %convert_element_type3A = arith.extui %lt3A_109 : i1 to i32
      %cond3A = arith.constant 0 : i32
      %cond3A_110 = arith.cmpi ne, %convert_element_type3A, %cond3A : i32
      scf.if %cond3A_110 {
        %jit3A_111 = arith.constant 4 : i32
        %div3A_112 = arith.divsi %add3A_108, %jit3A_111 : i32
        %sign3A_113 = arith.constant 0 : i32
        %sign3A_114 = arith.cmpi sgt, %add3A_108, %sign3A_113 : i32
        %sign3A_115 = arith.extui %sign3A_114 : i1 to i32
        %sign3A_116 = arith.constant 0 : i32
        %sign3A_117 = arith.cmpi slt, %add3A_108, %sign3A_116 : i32
        %sign3A_118 = arith.extui %sign3A_117 : i1 to i32
        %sign3A_119 = arith.subi %sign3A_115, %sign3A_118 : i32
        %sign3A_120 = arith.constant 0 : i32
        %sign3A_121 = arith.cmpi sgt, %jit3A_111, %sign3A_120 : i32
        %sign3A_122 = arith.extui %sign3A_121 : i1 to i32
        %sign3A_123 = arith.constant 0 : i32
        %sign3A_124 = arith.cmpi slt, %jit3A_111, %sign3A_123 : i32
        %sign3A_125 = arith.extui %sign3A_124 : i1 to i32
        %sign3A_126 = arith.subi %sign3A_122, %sign3A_125 : i32
        %ne3A_127 = arith.cmpi ne, %sign3A_119, %sign3A_126 : i32
        %rem3A_128 = arith.remsi %add3A_108, %jit3A_111 : i32
        %ne3A_129 = arith.constant 0 : i32
        %ne3A_130 = arith.cmpi ne, %rem3A_128, %ne3A_129 : i32
        %and3A_131 = arith.andi %ne3A_127, %ne3A_130 : i1
        %sub3A_132 = arith.constant 1 : i32
        %sub3A_133 = arith.subi %div3A_112, %sub3A_132 : i32
        %select_n3A_134 = arith.select %and3A_131, %sub3A_133, %div3A_112 : i32
        %jit3A_135 = arith.constant 4 : i32
        %eq3A = arith.constant 0 : i32
        %eq3A_136 = arith.cmpi eq, %jit3A_135, %eq3A : i32
        %jit3A_137 = arith.constant 1 : i32
        %select_n3A_138 = arith.select %eq3A_136, %jit3A_137, %jit3A_135 : i32
        %rem3A_139 = arith.remsi %add3A_108, %select_n3A_138 : i32
        %ne3A_140 = arith.constant 0 : i32
        %ne3A_141 = arith.cmpi ne, %rem3A_139, %ne3A_140 : i32
        %lt3A_142 = arith.constant 0 : i32
        %lt3A_143 = arith.cmpi slt, %rem3A_139, %lt3A_142 : i32
        %lt3A_144 = arith.constant 0 : i32
        %lt3A_145 = arith.cmpi slt, %select_n3A_138, %lt3A_144 : i32
        %ne3A_146 = arith.xori %lt3A_143, %lt3A_145 : i1
        %and3A_147 = arith.andi %ne3A_146, %ne3A_141 : i1
        %add3A_148 = arith.addi %rem3A_139, %select_n3A_138 : i32
        %select_n3A_149 = arith.select %and3A_147, %add3A_148, %rem3A_139 : i32
        %mul3A_150 = arith.constant 64 : i32
        %mul3A_151 = arith.muli %select_n3A_149, %mul3A_150 : i32
        %jit3A_152 = arith.constant 3 : i32
        %eq3A_153 = arith.constant 0 : i32
        %eq3A_154 = arith.cmpi eq, %jit3A_152, %eq3A_153 : i32
        %jit3A_155 = arith.constant 1 : i32
        %select_n3A_156 = arith.select %eq3A_154, %jit3A_155, %jit3A_152 : i32
        %rem3A_157 = arith.remsi %scan3A_105, %select_n3A_156 : i32
        %ne3A_158 = arith.constant 0 : i32
        %ne3A_159 = arith.cmpi ne, %rem3A_157, %ne3A_158 : i32
        %lt3A_160 = arith.constant 0 : i32
        %lt3A_161 = arith.cmpi slt, %rem3A_157, %lt3A_160 : i32
        %lt3A_162 = arith.constant 0 : i32
        %lt3A_163 = arith.cmpi slt, %select_n3A_156, %lt3A_162 : i32
        %ne3A_164 = arith.xori %lt3A_161, %lt3A_163 : i1
        %and3A_165 = arith.andi %ne3A_164, %ne3A_159 : i1
        %add3A_166 = arith.addi %rem3A_157, %select_n3A_156 : i32
        %select_n3A_167 = arith.select %and3A_165, %add3A_166, %rem3A_157 : i32
        %dma_wait3A_168 = arith.constant 0 : i32
        %dma_wait3A_169 = arith.constant 0 : i32
        %dma_wait3A_170 = arith.constant 0 : i32
        %dma_wait3A_171 = arith.constant 0 : i32
        %dma_wait3A_172 = tpu.memref_slice %arg8[%dma_wait3A_169, %dma_wait3A_170, %dma_wait3A_171] : memref<2x2x264xi32, #tpu.memory_space<vmem>> -> memref<1x2x264xi32, #tpu.memory_space<vmem>>
        %dma_wait3A_173 = tpu.memref_squeeze %dma_wait3A_172 : memref<1x2x264xi32, #tpu.memory_space<vmem>> -> memref<2x264xi32, #tpu.memory_space<vmem>>
        %dma_wait3A_174 = arith.constant 0 : i32
        %dma_wait3A_175 = arith.constant 0 : i32
        %dma_wait3A_176 = tpu.memref_slice %arg4[%dma_wait3A_168, %dma_wait3A_174, %dma_wait3A_175] : memref<257x2x264xi32, #tpu.memory_space<hbm>> -> memref<1x2x264xi32, #tpu.memory_space<hbm>>
        %dma_wait3A_177 = tpu.memref_squeeze %dma_wait3A_176 : memref<1x2x264xi32, #tpu.memory_space<hbm>> -> memref<2x264xi32, #tpu.memory_space<hbm>>
        %dma_wait3A_178 = arith.constant 0 : i32
        %dma_wait3A_179 = arith.constant 0 : i32
        %dma_wait3A_180 = tpu.memref_slice %arg8[%dma_wait3A_169, %dma_wait3A_178, %dma_wait3A_179] : memref<2x2x264xi32, #tpu.memory_space<vmem>> -> memref<1x2x264xi32, #tpu.memory_space<vmem>>
        %dma_wait3A_181 = tpu.memref_squeeze %dma_wait3A_180 : memref<1x2x264xi32, #tpu.memory_space<vmem>> -> memref<2x264xi32, #tpu.memory_space<vmem>>
        %dma_wait3A_182 = arith.constant 0 : i32
        %dma_wait3A_183 = arith.constant 0 : i32
        %dma_wait3A_184 = tpu.memref_slice %arg4[%dma_wait3A_168, %dma_wait3A_182, %dma_wait3A_183] : memref<257x2x264xi32, #tpu.memory_space<hbm>> -> memref<1x2x264xi32, #tpu.memory_space<hbm>>
        %dma_wait3A_185 = tpu.memref_squeeze %dma_wait3A_184 : memref<1x2x264xi32, #tpu.memory_space<hbm>> -> memref<2x264xi32, #tpu.memory_space<hbm>>
        tpu.wait_dma2 semaphore(%arg14 : memref<!tpu.dma_semaphore, #tpu.memory_space<semaphore_mem>>) src(%dma_wait3A_185 : memref<2x264xi32, #tpu.memory_space<hbm>>) dst(%dma_wait3A_181 : memref<2x264xi32, #tpu.memory_space<vmem>>)
        %add3A_186 = arith.constant 32 : i32
        %add3A_187 = arith.addi %add3A_108, %add3A_186 : i32
        %lt3A_188 = arith.constant 1028 : i32
        %lt3A_189 = arith.cmpi slt, %add3A_187, %lt3A_188 : i32
        %convert_element_type3A_190 = arith.extui %lt3A_189 : i1 to i32
        %cond3A_191 = arith.constant 0 : i32
        %cond3A_192 = arith.cmpi ne, %convert_element_type3A_190, %cond3A_191 : i32
        scf.if %cond3A_192 {
          %add3A_253 = arith.constant 1 : i32
          %add3A_254 = arith.addi %scan3A_105, %add3A_253 : i32
          %mul3A_255 = arith.constant 32 : i32
          %mul3A_256 = arith.muli %add3A_254, %mul3A_255 : i32
          %add3A_257 = arith.addi %add3A, %mul3A_256 : i32
          %jit3A_258 = arith.constant 4 : i32
          %div3A_259 = arith.divsi %add3A_257, %jit3A_258 : i32
          %sign3A_260 = arith.constant 0 : i32
          %sign3A_261 = arith.cmpi sgt, %add3A_257, %sign3A_260 : i32
          %sign3A_262 = arith.extui %sign3A_261 : i1 to i32
          %sign3A_263 = arith.constant 0 : i32
          %sign3A_264 = arith.cmpi slt, %add3A_257, %sign3A_263 : i32
          %sign3A_265 = arith.extui %sign3A_264 : i1 to i32
          %sign3A_266 = arith.subi %sign3A_262, %sign3A_265 : i32
          %sign3A_267 = arith.constant 0 : i32
          %sign3A_268 = arith.cmpi sgt, %jit3A_258, %sign3A_267 : i32
          %sign3A_269 = arith.extui %sign3A_268 : i1 to i32
          %sign3A_270 = arith.constant 0 : i32
          %sign3A_271 = arith.cmpi slt, %jit3A_258, %sign3A_270 : i32
          %sign3A_272 = arith.extui %sign3A_271 : i1 to i32
          %sign3A_273 = arith.subi %sign3A_269, %sign3A_272 : i32
          %ne3A_274 = arith.cmpi ne, %sign3A_266, %sign3A_273 : i32
          %rem3A_275 = arith.remsi %add3A_257, %jit3A_258 : i32
          %ne3A_276 = arith.constant 0 : i32
          %ne3A_277 = arith.cmpi ne, %rem3A_275, %ne3A_276 : i32
          %and3A_278 = arith.andi %ne3A_274, %ne3A_277 : i1
          %sub3A_279 = arith.constant 1 : i32
          %sub3A_280 = arith.subi %div3A_259, %sub3A_279 : i32
          %select_n3A_281 = arith.select %and3A_278, %sub3A_280, %div3A_259 : i32
          %jit3A_282 = arith.constant 2 : i32
          %eq3A_283 = arith.constant 0 : i32
          %eq3A_284 = arith.cmpi eq, %jit3A_282, %eq3A_283 : i32
          %jit3A_285 = arith.constant 1 : i32
          %select_n3A_286 = arith.select %eq3A_284, %jit3A_285, %jit3A_282 : i32
          %rem3A_287 = arith.remsi %add3A_254, %select_n3A_286 : i32
          %ne3A_288 = arith.constant 0 : i32
          %ne3A_289 = arith.cmpi ne, %rem3A_287, %ne3A_288 : i32
          %lt3A_290 = arith.constant 0 : i32
          %lt3A_291 = arith.cmpi slt, %rem3A_287, %lt3A_290 : i32
          %lt3A_292 = arith.constant 0 : i32
          %lt3A_293 = arith.cmpi slt, %select_n3A_286, %lt3A_292 : i32
          %ne3A_294 = arith.xori %lt3A_291, %lt3A_293 : i1
          %and3A_295 = arith.andi %ne3A_294, %ne3A_289 : i1
          %add3A_296 = arith.addi %rem3A_287, %select_n3A_286 : i32
          %select_n3A_297 = arith.select %and3A_295, %add3A_296, %rem3A_287 : i32
          %dma_start3A_298 = arith.constant 0 : i32
          %dma_start3A_299 = arith.constant 0 : i32
          %dma_start3A_300 = tpu.memref_slice %arg8[%select_n3A_297, %dma_start3A_298, %dma_start3A_299] : memref<2x2x264xi32, #tpu.memory_space<vmem>> -> memref<1x2x264xi32, #tpu.memory_space<vmem>>
          %dma_start3A_301 = tpu.memref_squeeze %dma_start3A_300 : memref<1x2x264xi32, #tpu.memory_space<vmem>> -> memref<2x264xi32, #tpu.memory_space<vmem>>
          %dma_start3A_302 = arith.constant 0 : i32
          %dma_start3A_303 = arith.constant 0 : i32
          %dma_start3A_304 = tpu.memref_slice %arg4[%select_n3A_281, %dma_start3A_302, %dma_start3A_303] : memref<257x2x264xi32, #tpu.memory_space<hbm>> -> memref<1x2x264xi32, #tpu.memory_space<hbm>>
          %dma_start3A_305 = tpu.memref_squeeze %dma_start3A_304 : memref<1x2x264xi32, #tpu.memory_space<hbm>> -> memref<2x264xi32, #tpu.memory_space<hbm>>
          %dma_start3A_306 = arith.constant 0 : i32
          %dma_start3A_307 = arith.constant 0 : i32
          %dma_start3A_308 = tpu.memref_slice %arg8[%select_n3A_297, %dma_start3A_306, %dma_start3A_307] : memref<2x2x264xi32, #tpu.memory_space<vmem>> -> memref<1x2x264xi32, #tpu.memory_space<vmem>>
          %dma_start3A_309 = tpu.memref_squeeze %dma_start3A_308 : memref<1x2x264xi32, #tpu.memory_space<vmem>> -> memref<2x264xi32, #tpu.memory_space<vmem>>
          %dma_start3A_310 = arith.constant 0 : i32
          %dma_start3A_311 = arith.constant 0 : i32
          %dma_start3A_312 = tpu.memref_slice %arg4[%select_n3A_281, %dma_start3A_310, %dma_start3A_311] : memref<257x2x264xi32, #tpu.memory_space<hbm>> -> memref<1x2x264xi32, #tpu.memory_space<hbm>>
          %dma_start3A_313 = tpu.memref_squeeze %dma_start3A_312 : memref<1x2x264xi32, #tpu.memory_space<hbm>> -> memref<2x264xi32, #tpu.memory_space<hbm>>
          tpu.enqueue_dma source(%dma_start3A_313 : memref<2x264xi32, #tpu.memory_space<hbm>>) target(%dma_start3A_309 : memref<2x264xi32, #tpu.memory_space<vmem>>) target_semaphore(%arg14 : memref<!tpu.dma_semaphore, #tpu.memory_space<semaphore_mem>>)
        } else {
        }
        %ge3A = arith.constant 3 : i32
        %ge3A_193 = arith.cmpi sge, %scan3A_105, %ge3A : i32
        %convert_element_type3A_194 = arith.extui %ge3A_193 : i1 to i32
        %cond3A_195 = arith.constant 0 : i32
        %cond3A_196 = arith.cmpi ne, %convert_element_type3A_194, %cond3A_195 : i32
        scf.if %cond3A_196 {
          %dma_wait3A_253 = arith.constant 0 : i32
          %dma_wait3A_254 = arith.constant 0 : i32
          %dma_wait3A_255 = arith.constant 0 : i32
          %dma_wait3A_256 = arith.constant 0 : i32
          %dma_wait3A_257 = tpu.memref_slice %arg10[%dma_wait3A_253, %dma_wait3A_255, %dma_wait3A_256] : memref<3x64x384xf32, #tpu.memory_space<vmem>> -> memref<1x64x384xf32, #tpu.memory_space<vmem>>
          %dma_wait3A_258 = tpu.memref_squeeze %dma_wait3A_257 : memref<1x64x384xf32, #tpu.memory_space<vmem>> -> memref<64x384xf32, #tpu.memory_space<vmem>>
          %dma_wait3A_259 = arith.constant 0 : i32
          %dma_wait3A_260 = arith.constant 0 : i32
          %dma_wait3A_261 = tpu.memref_slice %arg5[%dma_wait3A_254, %dma_wait3A_259, %dma_wait3A_260] : memref<257x257x384xf32, #tpu.memory_space<hbm>> -> memref<1x64x384xf32, #tpu.memory_space<hbm>>
          %dma_wait3A_262 = tpu.memref_squeeze %dma_wait3A_261 : memref<1x64x384xf32, #tpu.memory_space<hbm>> -> memref<64x384xf32, #tpu.memory_space<hbm>>
          %dma_wait3A_263 = arith.constant 0 : i32
          %dma_wait3A_264 = arith.constant 0 : i32
          %dma_wait3A_265 = tpu.memref_slice %arg5[%dma_wait3A_254, %dma_wait3A_263, %dma_wait3A_264] : memref<257x257x384xf32, #tpu.memory_space<hbm>> -> memref<1x64x384xf32, #tpu.memory_space<hbm>>
          %dma_wait3A_266 = tpu.memref_squeeze %dma_wait3A_265 : memref<1x64x384xf32, #tpu.memory_space<hbm>> -> memref<64x384xf32, #tpu.memory_space<hbm>>
          %dma_wait3A_267 = arith.constant 0 : i32
          %dma_wait3A_268 = arith.constant 0 : i32
          %dma_wait3A_269 = tpu.memref_slice %arg10[%dma_wait3A_253, %dma_wait3A_267, %dma_wait3A_268] : memref<3x64x384xf32, #tpu.memory_space<vmem>> -> memref<1x64x384xf32, #tpu.memory_space<vmem>>
          %dma_wait3A_270 = tpu.memref_squeeze %dma_wait3A_269 : memref<1x64x384xf32, #tpu.memory_space<vmem>> -> memref<64x384xf32, #tpu.memory_space<vmem>>
          tpu.wait_dma2 semaphore(%arg13 : memref<!tpu.dma_semaphore, #tpu.memory_space<semaphore_mem>>) src(%dma_wait3A_270 : memref<64x384xf32, #tpu.memory_space<vmem>>) dst(%dma_wait3A_266 : memref<64x384xf32, #tpu.memory_space<hbm>>)
        } else {
        }
        %jit3A_197 = arith.constant 2 : i32
        %eq3A_198 = arith.constant 0 : i32
        %eq3A_199 = arith.cmpi eq, %jit3A_197, %eq3A_198 : i32
        %jit3A_200 = arith.constant 1 : i32
        %select_n3A_201 = arith.select %eq3A_199, %jit3A_200, %jit3A_197 : i32
        %rem3A_202 = arith.remsi %scan3A_105, %select_n3A_201 : i32
        %ne3A_203 = arith.constant 0 : i32
        %ne3A_204 = arith.cmpi ne, %rem3A_202, %ne3A_203 : i32
        %lt3A_205 = arith.constant 0 : i32
        %lt3A_206 = arith.cmpi slt, %rem3A_202, %lt3A_205 : i32
        %lt3A_207 = arith.constant 0 : i32
        %lt3A_208 = arith.cmpi slt, %select_n3A_201, %lt3A_207 : i32
        %ne3A_209 = arith.xori %lt3A_206, %lt3A_208 : i1
        %and3A_210 = arith.andi %ne3A_209, %ne3A_204 : i1
        %add3A_211 = arith.addi %rem3A_202, %select_n3A_201 : i32
        %select_n3A_212 = arith.select %and3A_210, %add3A_211, %rem3A_202 : i32
        %scan3A_213 = arith.constant 0 : i32
        %scan3A_214 = arith.constant 0 : i32
        %scan3A_215 = arith.constant 4 : i32
        %scan3A_216 = arith.addi %scan3A_214, %scan3A_215 : i32
        %scan3A_217 = arith.constant 1 : i32
        scf.for %scan3A_253 = %scan3A_214 to %scan3A_216 step %scan3A_217  : i32 {
          %mul3A_254 = arith.constant 16 : i32
          %mul3A_255 = arith.muli %scan3A_253, %mul3A_254 : i32
          %add3A_256 = arith.addi %mul3A_151, %mul3A_255 : i32
          %get3A = arith.constant 0 : i32
          %get3A_257 = arith.index_cast %select_n3A_212 : i32 to index
          %get3A_258 = arith.index_cast %get3A : i32 to index
          %get3A_259 = arith.index_cast %add3A_256 : i32 to index
          %get3A_260 = tpu.vector_load %arg8[%get3A_257, %get3A_258, %get3A_259] {strides = array<i32>} : memref<2x2x264xi32, #tpu.memory_space<vmem>>, vector<1x1x16xi32>,
          %get3A_261 = vector.shape_cast %get3A_260 : vector<1x1x16xi32> to vector<16xi32>
          %mul3A_262 = arith.constant 32 : i32
          %mul3A_263 = vector.broadcast %mul3A_262 : i32 to vector<16xi32>
          %mul3A_264 = arith.muli %get3A_261, %mul3A_263 : vector<16xi32>
          %get3A_265 = arith.constant 1 : i32
          %get3A_266 = arith.index_cast %select_n3A_212 : i32 to index
          %get3A_267 = arith.index_cast %get3A_265 : i32 to index
          %get3A_268 = arith.index_cast %add3A_256 : i32 to index
          %get3A_269 = tpu.vector_load %arg8[%get3A_266, %get3A_267, %get3A_268] {strides = array<i32>} : memref<2x2x264xi32, #tpu.memory_space<vmem>>, vector<1x1x16xi32>,
          %get3A_270 = vector.shape_cast %get3A_269 : vector<1x1x16xi32> to vector<16xi32>
          %add3A_271 = arith.addi %mul3A_264, %get3A_270 : vector<16xi32>
          %mul3A_272 = arith.constant 16 : i32
          %mul3A_273 = arith.muli %scan3A_253, %mul3A_272 : i32
          %swap3A = arith.index_cast %mul3A_273 : i32 to index
          %swap3A_274 = tpu.vector_load %arg9[%swap3A] {strides = array<i32>} : memref<64xi32, #tpu.memory_space<vmem>>, vector<16xi32>,
          %swap3A_275 = vector.shape_cast %swap3A_274 : vector<16xi32> to vector<16xi32>
          %swap3A_276 = vector.shape_cast %add3A_271 : vector<16xi32> to vector<16xi32>
          tpu.vector_store %arg9[%swap3A], %swap3A_276 {strides = array<i32>} : memref<64xi32, #tpu.memory_space<vmem>>, vector<16xi32>,
        }
        %scan3A_218 = arith.constant 4 : i32
        %scan3A_219 = arith.constant 0 : i32
        %scan3A_220 = arith.constant 0 : i32
        %scan3A_221 = arith.constant 4 : i32
        %scan3A_222 = arith.addi %scan3A_220, %scan3A_221 : i32
        %scan3A_223 = arith.constant 1 : i32
        scf.for %scan3A_253 = %scan3A_220 to %scan3A_222 step %scan3A_223  : i32 {
          %mul3A_254 = arith.constant 16 : i32
          %mul3A_255 = arith.muli %scan3A_253, %mul3A_254 : i32
          %get3A = arith.index_cast %mul3A_255 : i32 to index
          %get3A_256 = tpu.vector_load %arg9[%get3A] {strides = array<i32>} : memref<64xi32, #tpu.memory_space<vmem>>, vector<16xi32>,
          %get3A_257 = vector.shape_cast %get3A_256 : vector<16xi32> to vector<16xi32>
          %slice3A = vector.extract_strided_slice %get3A_257 {offsets = [0], sizes = [1], strides = [1]} : vector<16xi32> to vector<1xi32>
          %squeeze3A = vector.extract %slice3A[0] : i32 from vector<1xi32>
          %mul3A_258 = arith.constant 16 : i32
          %mul3A_259 = arith.muli %scan3A_253, %mul3A_258 : i32
          %add3A_260 = arith.constant 0 : i32
          %add3A_261 = arith.addi %mul3A_259, %add3A_260 : i32
          %dma_start3A_262 = arith.constant 0 : i32
          %dma_start3A_263 = tpu.memref_slice %arg10[%select_n3A_167, %add3A_261, %dma_start3A_262] : memref<3x64x384xf32, #tpu.memory_space<vmem>> -> memref<1x1x384xf32, #tpu.memory_space<vmem>>
          %dma_start3A_264 = tpu.memref_squeeze %dma_start3A_263 : memref<1x1x384xf32, #tpu.memory_space<vmem>> -> memref<384xf32, #tpu.memory_space<vmem>>
          %dma_start3A_265 = arith.constant 0 : i32
          %dma_start3A_266 = tpu.memref_slice %arg11[%squeeze3A, %dma_start3A_265] : memref<1024x384xf32, #tpu.memory_space<vmem_shared>> -> memref<1x384xf32, #tpu.memory_space<vmem_shared>>
          %dma_start3A_267 = tpu.memref_squeeze %dma_start3A_266 : memref<1x384xf32, #tpu.memory_space<vmem_shared>> -> memref<384xf32, #tpu.memory_space<vmem_shared>>
          %dma_start3A_268 = arith.constant 0 : i32
          %dma_start3A_269 = tpu.memref_slice %arg10[%select_n3A_167, %add3A_261, %dma_start3A_268] : memref<3x64x384xf32, #tpu.memory_space<vmem>> -> memref<1x1x384xf32, #tpu.memory_space<vmem>>
          %dma_start3A_270 = tpu.memref_squeeze %dma_start3A_269 : memref<1x1x384xf32, #tpu.memory_space<vmem>> -> memref<384xf32, #tpu.memory_space<vmem>>
          %dma_start3A_271 = arith.constant 0 : i32
          %dma_start3A_272 = tpu.memref_slice %arg11[%squeeze3A, %dma_start3A_271] : memref<1024x384xf32, #tpu.memory_space<vmem_shared>> -> memref<1x384xf32, #tpu.memory_space<vmem_shared>>
          %dma_start3A_273 = tpu.memref_squeeze %dma_start3A_272 : memref<1x384xf32, #tpu.memory_space<vmem_shared>> -> memref<384xf32, #tpu.memory_space<vmem_shared>>
          tpu.enqueue_dma source(%dma_start3A_273 : memref<384xf32, #tpu.memory_space<vmem_shared>>) target(%dma_start3A_270 : memref<384xf32, #tpu.memory_space<vmem>>) target_semaphore(%arg12 : memref<!tpu.dma_semaphore, #tpu.memory_space<semaphore_mem>>)
          %slice3A_274 = vector.extract_strided_slice %get3A_257 {offsets = [1], sizes = [1], strides = [1]} : vector<16xi32> to vector<1xi32>
          %squeeze3A_275 = vector.extract %slice3A_274[0] : i32 from vector<1xi32>
          %mul3A_276 = arith.constant 16 : i32
          %mul3A_277 = arith.muli %scan3A_253, %mul3A_276 : i32
          %add3A_278 = arith.constant 1 : i32
          %add3A_279 = arith.addi %mul3A_277, %add3A_278 : i32
          %dma_start3A_280 = arith.constant 0 : i32
          %dma_start3A_281 = tpu.memref_slice %arg10[%select_n3A_167, %add3A_279, %dma_start3A_280] : memref<3x64x384xf32, #tpu.memory_space<vmem>> -> memref<1x1x384xf32, #tpu.memory_space<vmem>>
          %dma_start3A_282 = tpu.memref_squeeze %dma_start3A_281 : memref<1x1x384xf32, #tpu.memory_space<vmem>> -> memref<384xf32, #tpu.memory_space<vmem>>
          %dma_start3A_283 = arith.constant 0 : i32
          %dma_start3A_284 = tpu.memref_slice %arg11[%squeeze3A_275, %dma_start3A_283] : memref<1024x384xf32, #tpu.memory_space<vmem_shared>> -> memref<1x384xf32, #tpu.memory_space<vmem_shared>>
          %dma_start3A_285 = tpu.memref_squeeze %dma_start3A_284 : memref<1x384xf32, #tpu.memory_space<vmem_shared>> -> memref<384xf32, #tpu.memory_space<vmem_shared>>
          %dma_start3A_286 = arith.constant 0 : i32
          %dma_start3A_287 = tpu.memref_slice %arg10[%select_n3A_167, %add3A_279, %dma_start3A_286] : memref<3x64x384xf32, #tpu.memory_space<vmem>> -> memref<1x1x384xf32, #tpu.memory_space<vmem>>
          %dma_start3A_288 = tpu.memref_squeeze %dma_start3A_287 : memref<1x1x384xf32, #tpu.memory_space<vmem>> -> memref<384xf32, #tpu.memory_space<vmem>>
          %dma_start3A_289 = arith.constant 0 : i32
          %dma_start3A_290 = tpu.memref_slice %arg11[%squeeze3A_275, %dma_start3A_289] : memref<1024x384xf32, #tpu.memory_space<vmem_shared>> -> memref<1x384xf32, #tpu.memory_space<vmem_shared>>
          %dma_start3A_291 = tpu.memref_squeeze %dma_start3A_290 : memref<1x384xf32, #tpu.memory_space<vmem_shared>> -> memref<384xf32, #tpu.memory_space<vmem_shared>>
          tpu.enqueue_dma source(%dma_start3A_291 : memref<384xf32, #tpu.memory_space<vmem_shared>>) target(%dma_start3A_288 : memref<384xf32, #tpu.memory_space<vmem>>) target_semaphore(%arg12 : memref<!tpu.dma_semaphore, #tpu.memory_space<semaphore_mem>>)
          %slice3A_292 = vector.extract_strided_slice %get3A_257 {offsets = [2], sizes = [1], strides = [1]} : vector<16xi32> to vector<1xi32>
          %squeeze3A_293 = vector.extract %slice3A_292[0] : i32 from vector<1xi32>
          %mul3A_294 = arith.constant 16 : i32
          %mul3A_295 = arith.muli %scan3A_253, %mul3A_294 : i32
          %add3A_296 = arith.constant 2 : i32
          %add3A_297 = arith.addi %mul3A_295, %add3A_296 : i32
          %dma_start3A_298 = arith.constant 0 : i32
          %dma_start3A_299 = tpu.memref_slice %arg10[%select_n3A_167, %add3A_297, %dma_start3A_298] : memref<3x64x384xf32, #tpu.memory_space<vmem>> -> memref<1x1x384xf32, #tpu.memory_space<vmem>>
          %dma_start3A_300 = tpu.memref_squeeze %dma_start3A_299 : memref<1x1x384xf32, #tpu.memory_space<vmem>> -> memref<384xf32, #tpu.memory_space<vmem>>
          %dma_start3A_301 = arith.constant 0 : i32
          %dma_start3A_302 = tpu.memref_slice %arg11[%squeeze3A_293, %dma_start3A_301] : memref<1024x384xf32, #tpu.memory_space<vmem_shared>> -> memref<1x384xf32, #tpu.memory_space<vmem_shared>>
          %dma_start3A_303 = tpu.memref_squeeze %dma_start3A_302 : memref<1x384xf32, #tpu.memory_space<vmem_shared>> -> memref<384xf32, #tpu.memory_space<vmem_shared>>
          %dma_start3A_304 = arith.constant 0 : i32
          %dma_start3A_305 = tpu.memref_slice %arg10[%select_n3A_167, %add3A_297, %dma_start3A_304] : memref<3x64x384xf32, #tpu.memory_space<vmem>> -> memref<1x1x384xf32, #tpu.memory_space<vmem>>
          %dma_start3A_306 = tpu.memref_squeeze %dma_start3A_305 : memref<1x1x384xf32, #tpu.memory_space<vmem>> -> memref<384xf32, #tpu.memory_space<vmem>>
          %dma_start3A_307 = arith.constant 0 : i32
          %dma_start3A_308 = tpu.memref_slice %arg11[%squeeze3A_293, %dma_start3A_307] : memref<1024x384xf32, #tpu.memory_space<vmem_shared>> -> memref<1x384xf32, #tpu.memory_space<vmem_shared>>
          %dma_start3A_309 = tpu.memref_squeeze %dma_start3A_308 : memref<1x384xf32, #tpu.memory_space<vmem_shared>> -> memref<384xf32, #tpu.memory_space<vmem_shared>>
          tpu.enqueue_dma source(%dma_start3A_309 : memref<384xf32, #tpu.memory_space<vmem_shared>>) target(%dma_start3A_306 : memref<384xf32, #tpu.memory_space<vmem>>) target_semaphore(%arg12 : memref<!tpu.dma_semaphore, #tpu.memory_space<semaphore_mem>>)
          %slice3A_310 = vector.extract_strided_slice %get3A_257 {offsets = [3], sizes = [1], strides = [1]} : vector<16xi32> to vector<1xi32>
          %squeeze3A_311 = vector.extract %slice3A_310[0] : i32 from vector<1xi32>
          %mul3A_312 = arith.constant 16 : i32
          %mul3A_313 = arith.muli %scan3A_253, %mul3A_312 : i32
          %add3A_314 = arith.constant 3 : i32
          %add3A_315 = arith.addi %mul3A_313, %add3A_314 : i32
          %dma_start3A_316 = arith.constant 0 : i32
          %dma_start3A_317 = tpu.memref_slice %arg10[%select_n3A_167, %add3A_315, %dma_start3A_316] : memref<3x64x384xf32, #tpu.memory_space<vmem>> -> memref<1x1x384xf32, #tpu.memory_space<vmem>>
          %dma_start3A_318 = tpu.memref_squeeze %dma_start3A_317 : memref<1x1x384xf32, #tpu.memory_space<vmem>> -> memref<384xf32, #tpu.memory_space<vmem>>
          %dma_start3A_319 = arith.constant 0 : i32
          %dma_start3A_320 = tpu.memref_slice %arg11[%squeeze3A_311, %dma_start3A_319] : memref<1024x384xf32, #tpu.memory_space<vmem_shared>> -> memref<1x384xf32, #tpu.memory_space<vmem_shared>>
          %dma_start3A_321 = tpu.memref_squeeze %dma_start3A_320 : memref<1x384xf32, #tpu.memory_space<vmem_shared>> -> memref<384xf32, #tpu.memory_space<vmem_shared>>
          %dma_start3A_322 = arith.constant 0 : i32
          %dma_start3A_323 = tpu.memref_slice %arg10[%select_n3A_167, %add3A_315, %dma_start3A_322] : memref<3x64x384xf32, #tpu.memory_space<vmem>> -> memref<1x1x384xf32, #tpu.memory_space<vmem>>
          %dma_start3A_324 = tpu.memref_squeeze %dma_start3A_323 : memref<1x1x384xf32, #tpu.memory_space<vmem>> -> memref<384xf32, #tpu.memory_space<vmem>>
          %dma_start3A_325 = arith.constant 0 : i32
          %dma_start3A_326 = tpu.memref_slice %arg11[%squeeze3A_311, %dma_start3A_325] : memref<1024x384xf32, #tpu.memory_space<vmem_shared>> -> memref<1x384xf32, #tpu.memory_space<vmem_shared>>
          %dma_start3A_327 = tpu.memref_squeeze %dma_start3A_326 : memref<1x384xf32, #tpu.memory_space<vmem_shared>> -> memref<384xf32, #tpu.memory_space<vmem_shared>>
          tpu.enqueue_dma source(%dma_start3A_327 : memref<384xf32, #tpu.memory_space<vmem_shared>>) target(%dma_start3A_324 : memref<384xf32, #tpu.memory_space<vmem>>) target_semaphore(%arg12 : memref<!tpu.dma_semaphore, #tpu.memory_space<semaphore_mem>>)
          %slice3A_328 = vector.extract_strided_slice %get3A_257 {offsets = [4], sizes = [1], strides = [1]} : vector<16xi32> to vector<1xi32>
          %squeeze3A_329 = vector.extract %slice3A_328[0] : i32 from vector<1xi32>
          %mul3A_330 = arith.constant 16 : i32
          %mul3A_331 = arith.muli %scan3A_253, %mul3A_330 : i32
          %add3A_332 = arith.constant 4 : i32
          %add3A_333 = arith.addi %mul3A_331, %add3A_332 : i32
          %dma_start3A_334 = arith.constant 0 : i32
          %dma_start3A_335 = tpu.memref_slice %arg10[%select_n3A_167, %add3A_333, %dma_start3A_334] : memref<3x64x384xf32, #tpu.memory_space<vmem>> -> memref<1x1x384xf32, #tpu.memory_space<vmem>>
          %dma_start3A_336 = tpu.memref_squeeze %dma_start3A_335 : memref<1x1x384xf32, #tpu.memory_space<vmem>> -> memref<384xf32, #tpu.memory_space<vmem>>
          %dma_start3A_337 = arith.constant 0 : i32
          %dma_start3A_338 = tpu.memref_slice %arg11[%squeeze3A_329, %dma_start3A_337] : memref<1024x384xf32, #tpu.memory_space<vmem_shared>> -> memref<1x384xf32, #tpu.memory_space<vmem_shared>>
          %dma_start3A_339 = tpu.memref_squeeze %dma_start3A_338 : memref<1x384xf32, #tpu.memory_space<vmem_shared>> -> memref<384xf32, #tpu.memory_space<vmem_shared>>
          %dma_start3A_340 = arith.constant 0 : i32
          %dma_start3A_341 = tpu.memref_slice %arg10[%select_n3A_167, %add3A_333, %dma_start3A_340] : memref<3x64x384xf32, #tpu.memory_space<vmem>> -> memref<1x1x384xf32, #tpu.memory_space<vmem>>
          %dma_start3A_342 = tpu.memref_squeeze %dma_start3A_341 : memref<1x1x384xf32, #tpu.memory_space<vmem>> -> memref<384xf32, #tpu.memory_space<vmem>>
          %dma_start3A_343 = arith.constant 0 : i32
          %dma_start3A_344 = tpu.memref_slice %arg11[%squeeze3A_329, %dma_start3A_343] : memref<1024x384xf32, #tpu.memory_space<vmem_shared>> -> memref<1x384xf32, #tpu.memory_space<vmem_shared>>
          %dma_start3A_345 = tpu.memref_squeeze %dma_start3A_344 : memref<1x384xf32, #tpu.memory_space<vmem_shared>> -> memref<384xf32, #tpu.memory_space<vmem_shared>>
          tpu.enqueue_dma source(%dma_start3A_345 : memref<384xf32, #tpu.memory_space<vmem_shared>>) target(%dma_start3A_342 : memref<384xf32, #tpu.memory_space<vmem>>) target_semaphore(%arg12 : memref<!tpu.dma_semaphore, #tpu.memory_space<semaphore_mem>>)
          %slice3A_346 = vector.extract_strided_slice %get3A_257 {offsets = [5], sizes = [1], strides = [1]} : vector<16xi32> to vector<1xi32>
          %squeeze3A_347 = vector.extract %slice3A_346[0] : i32 from vector<1xi32>
          %mul3A_348 = arith.constant 16 : i32
          %mul3A_349 = arith.muli %scan3A_253, %mul3A_348 : i32
          %add3A_350 = arith.constant 5 : i32
          %add3A_351 = arith.addi %mul3A_349, %add3A_350 : i32
          %dma_start3A_352 = arith.constant 0 : i32
          %dma_start3A_353 = tpu.memref_slice %arg10[%select_n3A_167, %add3A_351, %dma_start3A_352] : memref<3x64x384xf32, #tpu.memory_space<vmem>> -> memref<1x1x384xf32, #tpu.memory_space<vmem>>
          %dma_start3A_354 = tpu.memref_squeeze %dma_start3A_353 : memref<1x1x384xf32, #tpu.memory_space<vmem>> -> memref<384xf32, #tpu.memory_space<vmem>>
          %dma_start3A_355 = arith.constant 0 : i32
          %dma_start3A_356 = tpu.memref_slice %arg11[%squeeze3A_347, %dma_start3A_355] : memref<1024x384xf32, #tpu.memory_space<vmem_shared>> -> memref<1x384xf32, #tpu.memory_space<vmem_shared>>
          %dma_start3A_357 = tpu.memref_squeeze %dma_start3A_356 : memref<1x384xf32, #tpu.memory_space<vmem_shared>> -> memref<384xf32, #tpu.memory_space<vmem_shared>>
          %dma_start3A_358 = arith.constant 0 : i32
          %dma_start3A_359 = tpu.memref_slice %arg10[%select_n3A_167, %add3A_351, %dma_start3A_358] : memref<3x64x384xf32, #tpu.memory_space<vmem>> -> memref<1x1x384xf32, #tpu.memory_space<vmem>>
          %dma_start3A_360 = tpu.memref_squeeze %dma_start3A_359 : memref<1x1x384xf32, #tpu.memory_space<vmem>> -> memref<384xf32, #tpu.memory_space<vmem>>
          %dma_start3A_361 = arith.constant 0 : i32
          %dma_start3A_362 = tpu.memref_slice %arg11[%squeeze3A_347, %dma_start3A_361] : memref<1024x384xf32, #tpu.memory_space<vmem_shared>> -> memref<1x384xf32, #tpu.memory_space<vmem_shared>>
          %dma_start3A_363 = tpu.memref_squeeze %dma_start3A_362 : memref<1x384xf32, #tpu.memory_space<vmem_shared>> -> memref<384xf32, #tpu.memory_space<vmem_shared>>
          tpu.enqueue_dma source(%dma_start3A_363 : memref<384xf32, #tpu.memory_space<vmem_shared>>) target(%dma_start3A_360 : memref<384xf32, #tpu.memory_space<vmem>>) target_semaphore(%arg12 : memref<!tpu.dma_semaphore, #tpu.memory_space<semaphore_mem>>)
          %slice3A_364 = vector.extract_strided_slice %get3A_257 {offsets = [6], sizes = [1], strides = [1]} : vector<16xi32> to vector<1xi32>
          %squeeze3A_365 = vector.extract %slice3A_364[0] : i32 from vector<1xi32>
          %mul3A_366 = arith.constant 16 : i32
          %mul3A_367 = arith.muli %scan3A_253, %mul3A_366 : i32
          %add3A_368 = arith.constant 6 : i32
          %add3A_369 = arith.addi %mul3A_367, %add3A_368 : i32
          %dma_start3A_370 = arith.constant 0 : i32
          %dma_start3A_371 = tpu.memref_slice %arg10[%select_n3A_167, %add3A_369, %dma_start3A_370] : memref<3x64x384xf32, #tpu.memory_space<vmem>> -> memref<1x1x384xf32, #tpu.memory_space<vmem>>
          %dma_start3A_372 = tpu.memref_squeeze %dma_start3A_371 : memref<1x1x384xf32, #tpu.memory_space<vmem>> -> memref<384xf32, #tpu.memory_space<vmem>>
          %dma_start3A_373 = arith.constant 0 : i32
          %dma_start3A_374 = tpu.memref_slice %arg11[%squeeze3A_365, %dma_start3A_373] : memref<1024x384xf32, #tpu.memory_space<vmem_shared>> -> memref<1x384xf32, #tpu.memory_space<vmem_shared>>
          %dma_start3A_375 = tpu.memref_squeeze %dma_start3A_374 : memref<1x384xf32, #tpu.memory_space<vmem_shared>> -> memref<384xf32, #tpu.memory_space<vmem_shared>>
          %dma_start3A_376 = arith.constant 0 : i32
          %dma_start3A_377 = tpu.memref_slice %arg10[%select_n3A_167, %add3A_369, %dma_start3A_376] : memref<3x64x384xf32, #tpu.memory_space<vmem>> -> memref<1x1x384xf32, #tpu.memory_space<vmem>>
          %dma_start3A_378 = tpu.memref_squeeze %dma_start3A_377 : memref<1x1x384xf32, #tpu.memory_space<vmem>> -> memref<384xf32, #tpu.memory_space<vmem>>
          %dma_start3A_379 = arith.constant 0 : i32
          %dma_start3A_380 = tpu.memref_slice %arg11[%squeeze3A_365, %dma_start3A_379] : memref<1024x384xf32, #tpu.memory_space<vmem_shared>> -> memref<1x384xf32, #tpu.memory_space<vmem_shared>>
          %dma_start3A_381 = tpu.memref_squeeze %dma_start3A_380 : memref<1x384xf32, #tpu.memory_space<vmem_shared>> -> memref<384xf32, #tpu.memory_space<vmem_shared>>
          tpu.enqueue_dma source(%dma_start3A_381 : memref<384xf32, #tpu.memory_space<vmem_shared>>) target(%dma_start3A_378 : memref<384xf32, #tpu.memory_space<vmem>>) target_semaphore(%arg12 : memref<!tpu.dma_semaphore, #tpu.memory_space<semaphore_mem>>)
          %slice3A_382 = vector.extract_strided_slice %get3A_257 {offsets = [7], sizes = [1], strides = [1]} : vector<16xi32> to vector<1xi32>
          %squeeze3A_383 = vector.extract %slice3A_382[0] : i32 from vector<1xi32>
          %mul3A_384 = arith.constant 16 : i32
          %mul3A_385 = arith.muli %scan3A_253, %mul3A_384 : i32
          %add3A_386 = arith.constant 7 : i32
          %add3A_387 = arith.addi %mul3A_385, %add3A_386 : i32
          %dma_start3A_388 = arith.constant 0 : i32
          %dma_start3A_389 = tpu.memref_slice %arg10[%select_n3A_167, %add3A_387, %dma_start3A_388] : memref<3x64x384xf32, #tpu.memory_space<vmem>> -> memref<1x1x384xf32, #tpu.memory_space<vmem>>
          %dma_start3A_390 = tpu.memref_squeeze %dma_start3A_389 : memref<1x1x384xf32, #tpu.memory_space<vmem>> -> memref<384xf32, #tpu.memory_space<vmem>>
          %dma_start3A_391 = arith.constant 0 : i32
          %dma_start3A_392 = tpu.memref_slice %arg11[%squeeze3A_383, %dma_start3A_391] : memref<1024x384xf32, #tpu.memory_space<vmem_shared>> -> memref<1x384xf32, #tpu.memory_space<vmem_shared>>
          %dma_start3A_393 = tpu.memref_squeeze %dma_start3A_392 : memref<1x384xf32, #tpu.memory_space<vmem_shared>> -> memref<384xf32, #tpu.memory_space<vmem_shared>>
          %dma_start3A_394 = arith.constant 0 : i32
          %dma_start3A_395 = tpu.memref_slice %arg10[%select_n3A_167, %add3A_387, %dma_start3A_394] : memref<3x64x384xf32, #tpu.memory_space<vmem>> -> memref<1x1x384xf32, #tpu.memory_space<vmem>>
          %dma_start3A_396 = tpu.memref_squeeze %dma_start3A_395 : memref<1x1x384xf32, #tpu.memory_space<vmem>> -> memref<384xf32, #tpu.memory_space<vmem>>
          %dma_start3A_397 = arith.constant 0 : i32
          %dma_start3A_398 = tpu.memref_slice %arg11[%squeeze3A_383, %dma_start3A_397] : memref<1024x384xf32, #tpu.memory_space<vmem_shared>> -> memref<1x384xf32, #tpu.memory_space<vmem_shared>>
          %dma_start3A_399 = tpu.memref_squeeze %dma_start3A_398 : memref<1x384xf32, #tpu.memory_space<vmem_shared>> -> memref<384xf32, #tpu.memory_space<vmem_shared>>
          tpu.enqueue_dma source(%dma_start3A_399 : memref<384xf32, #tpu.memory_space<vmem_shared>>) target(%dma_start3A_396 : memref<384xf32, #tpu.memory_space<vmem>>) target_semaphore(%arg12 : memref<!tpu.dma_semaphore, #tpu.memory_space<semaphore_mem>>)
          %slice3A_400 = vector.extract_strided_slice %get3A_257 {offsets = [8], sizes = [1], strides = [1]} : vector<16xi32> to vector<1xi32>
          %squeeze3A_401 = vector.extract %slice3A_400[0] : i32 from vector<1xi32>
          %mul3A_402 = arith.constant 16 : i32
          %mul3A_403 = arith.muli %scan3A_253, %mul3A_402 : i32
          %add3A_404 = arith.constant 8 : i32
          %add3A_405 = arith.addi %mul3A_403, %add3A_404 : i32
          %dma_start3A_406 = arith.constant 0 : i32
          %dma_start3A_407 = tpu.memref_slice %arg10[%select_n3A_167, %add3A_405, %dma_start3A_406] : memref<3x64x384xf32, #tpu.memory_space<vmem>> -> memref<1x1x384xf32, #tpu.memory_space<vmem>>
          %dma_start3A_408 = tpu.memref_squeeze %dma_start3A_407 : memref<1x1x384xf32, #tpu.memory_space<vmem>> -> memref<384xf32, #tpu.memory_space<vmem>>
          %dma_start3A_409 = arith.constant 0 : i32
          %dma_start3A_410 = tpu.memref_slice %arg11[%squeeze3A_401, %dma_start3A_409] : memref<1024x384xf32, #tpu.memory_space<vmem_shared>> -> memref<1x384xf32, #tpu.memory_space<vmem_shared>>
          %dma_start3A_411 = tpu.memref_squeeze %dma_start3A_410 : memref<1x384xf32, #tpu.memory_space<vmem_shared>> -> memref<384xf32, #tpu.memory_space<vmem_shared>>
          %dma_start3A_412 = arith.constant 0 : i32
          %dma_start3A_413 = tpu.memref_slice %arg10[%select_n3A_167, %add3A_405, %dma_start3A_412] : memref<3x64x384xf32, #tpu.memory_space<vmem>> -> memref<1x1x384xf32, #tpu.memory_space<vmem>>
          %dma_start3A_414 = tpu.memref_squeeze %dma_start3A_413 : memref<1x1x384xf32, #tpu.memory_space<vmem>> -> memref<384xf32, #tpu.memory_space<vmem>>
          %dma_start3A_415 = arith.constant 0 : i32
          %dma_start3A_416 = tpu.memref_slice %arg11[%squeeze3A_401, %dma_start3A_415] : memref<1024x384xf32, #tpu.memory_space<vmem_shared>> -> memref<1x384xf32, #tpu.memory_space<vmem_shared>>
          %dma_start3A_417 = tpu.memref_squeeze %dma_start3A_416 : memref<1x384xf32, #tpu.memory_space<vmem_shared>> -> memref<384xf32, #tpu.memory_space<vmem_shared>>
          tpu.enqueue_dma source(%dma_start3A_417 : memref<384xf32, #tpu.memory_space<vmem_shared>>) target(%dma_start3A_414 : memref<384xf32, #tpu.memory_space<vmem>>) target_semaphore(%arg12 : memref<!tpu.dma_semaphore, #tpu.memory_space<semaphore_mem>>)
          %slice3A_418 = vector.extract_strided_slice %get3A_257 {offsets = [9], sizes = [1], strides = [1]} : vector<16xi32> to vector<1xi32>
          %squeeze3A_419 = vector.extract %slice3A_418[0] : i32 from vector<1xi32>
          %mul3A_420 = arith.constant 16 : i32
          %mul3A_421 = arith.muli %scan3A_253, %mul3A_420 : i32
          %add3A_422 = arith.constant 9 : i32
          %add3A_423 = arith.addi %mul3A_421, %add3A_422 : i32
          %dma_start3A_424 = arith.constant 0 : i32
          %dma_start3A_425 = tpu.memref_slice %arg10[%select_n3A_167, %add3A_423, %dma_start3A_424] : memref<3x64x384xf32, #tpu.memory_space<vmem>> -> memref<1x1x384xf32, #tpu.memory_space<vmem>>
          %dma_start3A_426 = tpu.memref_squeeze %dma_start3A_425 : memref<1x1x384xf32, #tpu.memory_space<vmem>> -> memref<384xf32, #tpu.memory_space<vmem>>
          %dma_start3A_427 = arith.constant 0 : i32
          %dma_start3A_428 = tpu.memref_slice %arg11[%squeeze3A_419, %dma_start3A_427] : memref<1024x384xf32, #tpu.memory_space<vmem_shared>> -> memref<1x384xf32, #tpu.memory_space<vmem_shared>>
          %dma_start3A_429 = tpu.memref_squeeze %dma_start3A_428 : memref<1x384xf32, #tpu.memory_space<vmem_shared>> -> memref<384xf32, #tpu.memory_space<vmem_shared>>
          %dma_start3A_430 = arith.constant 0 : i32
          %dma_start3A_431 = tpu.memref_slice %arg10[%select_n3A_167, %add3A_423, %dma_start3A_430] : memref<3x64x384xf32, #tpu.memory_space<vmem>> -> memref<1x1x384xf32, #tpu.memory_space<vmem>>
          %dma_start3A_432 = tpu.memref_squeeze %dma_start3A_431 : memref<1x1x384xf32, #tpu.memory_space<vmem>> -> memref<384xf32, #tpu.memory_space<vmem>>
          %dma_start3A_433 = arith.constant 0 : i32
          %dma_start3A_434 = tpu.memref_slice %arg11[%squeeze3A_419, %dma_start3A_433] : memref<1024x384xf32, #tpu.memory_space<vmem_shared>> -> memref<1x384xf32, #tpu.memory_space<vmem_shared>>
          %dma_start3A_435 = tpu.memref_squeeze %dma_start3A_434 : memref<1x384xf32, #tpu.memory_space<vmem_shared>> -> memref<384xf32, #tpu.memory_space<vmem_shared>>
          tpu.enqueue_dma source(%dma_start3A_435 : memref<384xf32, #tpu.memory_space<vmem_shared>>) target(%dma_start3A_432 : memref<384xf32, #tpu.memory_space<vmem>>) target_semaphore(%arg12 : memref<!tpu.dma_semaphore, #tpu.memory_space<semaphore_mem>>)
          %slice3A_436 = vector.extract_strided_slice %get3A_257 {offsets = [10], sizes = [1], strides = [1]} : vector<16xi32> to vector<1xi32>
          %squeeze3A_437 = vector.extract %slice3A_436[0] : i32 from vector<1xi32>
          %mul3A_438 = arith.constant 16 : i32
          %mul3A_439 = arith.muli %scan3A_253, %mul3A_438 : i32
          %add3A_440 = arith.constant 10 : i32
          %add3A_441 = arith.addi %mul3A_439, %add3A_440 : i32
          %dma_start3A_442 = arith.constant 0 : i32
          %dma_start3A_443 = tpu.memref_slice %arg10[%select_n3A_167, %add3A_441, %dma_start3A_442] : memref<3x64x384xf32, #tpu.memory_space<vmem>> -> memref<1x1x384xf32, #tpu.memory_space<vmem>>
          %dma_start3A_444 = tpu.memref_squeeze %dma_start3A_443 : memref<1x1x384xf32, #tpu.memory_space<vmem>> -> memref<384xf32, #tpu.memory_space<vmem>>
          %dma_start3A_445 = arith.constant 0 : i32
          %dma_start3A_446 = tpu.memref_slice %arg11[%squeeze3A_437, %dma_start3A_445] : memref<1024x384xf32, #tpu.memory_space<vmem_shared>> -> memref<1x384xf32, #tpu.memory_space<vmem_shared>>
          %dma_start3A_447 = tpu.memref_squeeze %dma_start3A_446 : memref<1x384xf32, #tpu.memory_space<vmem_shared>> -> memref<384xf32, #tpu.memory_space<vmem_shared>>
          %dma_start3A_448 = arith.constant 0 : i32
          %dma_start3A_449 = tpu.memref_slice %arg10[%select_n3A_167, %add3A_441, %dma_start3A_448] : memref<3x64x384xf32, #tpu.memory_space<vmem>> -> memref<1x1x384xf32, #tpu.memory_space<vmem>>
          %dma_start3A_450 = tpu.memref_squeeze %dma_start3A_449 : memref<1x1x384xf32, #tpu.memory_space<vmem>> -> memref<384xf32, #tpu.memory_space<vmem>>
          %dma_start3A_451 = arith.constant 0 : i32
          %dma_start3A_452 = tpu.memref_slice %arg11[%squeeze3A_437, %dma_start3A_451] : memref<1024x384xf32, #tpu.memory_space<vmem_shared>> -> memref<1x384xf32, #tpu.memory_space<vmem_shared>>
          %dma_start3A_453 = tpu.memref_squeeze %dma_start3A_452 : memref<1x384xf32, #tpu.memory_space<vmem_shared>> -> memref<384xf32, #tpu.memory_space<vmem_shared>>
          tpu.enqueue_dma source(%dma_start3A_453 : memref<384xf32, #tpu.memory_space<vmem_shared>>) target(%dma_start3A_450 : memref<384xf32, #tpu.memory_space<vmem>>) target_semaphore(%arg12 : memref<!tpu.dma_semaphore, #tpu.memory_space<semaphore_mem>>)
          %slice3A_454 = vector.extract_strided_slice %get3A_257 {offsets = [11], sizes = [1], strides = [1]} : vector<16xi32> to vector<1xi32>
          %squeeze3A_455 = vector.extract %slice3A_454[0] : i32 from vector<1xi32>
          %mul3A_456 = arith.constant 16 : i32
          %mul3A_457 = arith.muli %scan3A_253, %mul3A_456 : i32
          %add3A_458 = arith.constant 11 : i32
          %add3A_459 = arith.addi %mul3A_457, %add3A_458 : i32
          %dma_start3A_460 = arith.constant 0 : i32
          %dma_start3A_461 = tpu.memref_slice %arg10[%select_n3A_167, %add3A_459, %dma_start3A_460] : memref<3x64x384xf32, #tpu.memory_space<vmem>> -> memref<1x1x384xf32, #tpu.memory_space<vmem>>
          %dma_start3A_462 = tpu.memref_squeeze %dma_start3A_461 : memref<1x1x384xf32, #tpu.memory_space<vmem>> -> memref<384xf32, #tpu.memory_space<vmem>>
          %dma_start3A_463 = arith.constant 0 : i32
          %dma_start3A_464 = tpu.memref_slice %arg11[%squeeze3A_455, %dma_start3A_463] : memref<1024x384xf32, #tpu.memory_space<vmem_shared>> -> memref<1x384xf32, #tpu.memory_space<vmem_shared>>
          %dma_start3A_465 = tpu.memref_squeeze %dma_start3A_464 : memref<1x384xf32, #tpu.memory_space<vmem_shared>> -> memref<384xf32, #tpu.memory_space<vmem_shared>>
          %dma_start3A_466 = arith.constant 0 : i32
          %dma_start3A_467 = tpu.memref_slice %arg10[%select_n3A_167, %add3A_459, %dma_start3A_466] : memref<3x64x384xf32, #tpu.memory_space<vmem>> -> memref<1x1x384xf32, #tpu.memory_space<vmem>>
          %dma_start3A_468 = tpu.memref_squeeze %dma_start3A_467 : memref<1x1x384xf32, #tpu.memory_space<vmem>> -> memref<384xf32, #tpu.memory_space<vmem>>
          %dma_start3A_469 = arith.constant 0 : i32
          %dma_start3A_470 = tpu.memref_slice %arg11[%squeeze3A_455, %dma_start3A_469] : memref<1024x384xf32, #tpu.memory_space<vmem_shared>> -> memref<1x384xf32, #tpu.memory_space<vmem_shared>>
          %dma_start3A_471 = tpu.memref_squeeze %dma_start3A_470 : memref<1x384xf32, #tpu.memory_space<vmem_shared>> -> memref<384xf32, #tpu.memory_space<vmem_shared>>
          tpu.enqueue_dma source(%dma_start3A_471 : memref<384xf32, #tpu.memory_space<vmem_shared>>) target(%dma_start3A_468 : memref<384xf32, #tpu.memory_space<vmem>>) target_semaphore(%arg12 : memref<!tpu.dma_semaphore, #tpu.memory_space<semaphore_mem>>)
          %slice3A_472 = vector.extract_strided_slice %get3A_257 {offsets = [12], sizes = [1], strides = [1]} : vector<16xi32> to vector<1xi32>
          %squeeze3A_473 = vector.extract %slice3A_472[0] : i32 from vector<1xi32>
          %mul3A_474 = arith.constant 16 : i32
          %mul3A_475 = arith.muli %scan3A_253, %mul3A_474 : i32
          %add3A_476 = arith.constant 12 : i32
          %add3A_477 = arith.addi %mul3A_475, %add3A_476 : i32
          %dma_start3A_478 = arith.constant 0 : i32
          %dma_start3A_479 = tpu.memref_slice %arg10[%select_n3A_167, %add3A_477, %dma_start3A_478] : memref<3x64x384xf32, #tpu.memory_space<vmem>> -> memref<1x1x384xf32, #tpu.memory_space<vmem>>
          %dma_start3A_480 = tpu.memref_squeeze %dma_start3A_479 : memref<1x1x384xf32, #tpu.memory_space<vmem>> -> memref<384xf32, #tpu.memory_space<vmem>>
          %dma_start3A_481 = arith.constant 0 : i32
          %dma_start3A_482 = tpu.memref_slice %arg11[%squeeze3A_473, %dma_start3A_481] : memref<1024x384xf32, #tpu.memory_space<vmem_shared>> -> memref<1x384xf32, #tpu.memory_space<vmem_shared>>
          %dma_start3A_483 = tpu.memref_squeeze %dma_start3A_482 : memref<1x384xf32, #tpu.memory_space<vmem_shared>> -> memref<384xf32, #tpu.memory_space<vmem_shared>>
          %dma_start3A_484 = arith.constant 0 : i32
          %dma_start3A_485 = tpu.memref_slice %arg10[%select_n3A_167, %add3A_477, %dma_start3A_484] : memref<3x64x384xf32, #tpu.memory_space<vmem>> -> memref<1x1x384xf32, #tpu.memory_space<vmem>>
          %dma_start3A_486 = tpu.memref_squeeze %dma_start3A_485 : memref<1x1x384xf32, #tpu.memory_space<vmem>> -> memref<384xf32, #tpu.memory_space<vmem>>
          %dma_start3A_487 = arith.constant 0 : i32
          %dma_start3A_488 = tpu.memref_slice %arg11[%squeeze3A_473, %dma_start3A_487] : memref<1024x384xf32, #tpu.memory_space<vmem_shared>> -> memref<1x384xf32, #tpu.memory_space<vmem_shared>>
          %dma_start3A_489 = tpu.memref_squeeze %dma_start3A_488 : memref<1x384xf32, #tpu.memory_space<vmem_shared>> -> memref<384xf32, #tpu.memory_space<vmem_shared>>
          tpu.enqueue_dma source(%dma_start3A_489 : memref<384xf32, #tpu.memory_space<vmem_shared>>) target(%dma_start3A_486 : memref<384xf32, #tpu.memory_space<vmem>>) target_semaphore(%arg12 : memref<!tpu.dma_semaphore, #tpu.memory_space<semaphore_mem>>)
          %slice3A_490 = vector.extract_strided_slice %get3A_257 {offsets = [13], sizes = [1], strides = [1]} : vector<16xi32> to vector<1xi32>
          %squeeze3A_491 = vector.extract %slice3A_490[0] : i32 from vector<1xi32>
          %mul3A_492 = arith.constant 16 : i32
          %mul3A_493 = arith.muli %scan3A_253, %mul3A_492 : i32
          %add3A_494 = arith.constant 13 : i32
          %add3A_495 = arith.addi %mul3A_493, %add3A_494 : i32
          %dma_start3A_496 = arith.constant 0 : i32
          %dma_start3A_497 = tpu.memref_slice %arg10[%select_n3A_167, %add3A_495, %dma_start3A_496] : memref<3x64x384xf32, #tpu.memory_space<vmem>> -> memref<1x1x384xf32, #tpu.memory_space<vmem>>
          %dma_start3A_498 = tpu.memref_squeeze %dma_start3A_497 : memref<1x1x384xf32, #tpu.memory_space<vmem>> -> memref<384xf32, #tpu.memory_space<vmem>>
          %dma_start3A_499 = arith.constant 0 : i32
          %dma_start3A_500 = tpu.memref_slice %arg11[%squeeze3A_491, %dma_start3A_499] : memref<1024x384xf32, #tpu.memory_space<vmem_shared>> -> memref<1x384xf32, #tpu.memory_space<vmem_shared>>
          %dma_start3A_501 = tpu.memref_squeeze %dma_start3A_500 : memref<1x384xf32, #tpu.memory_space<vmem_shared>> -> memref<384xf32, #tpu.memory_space<vmem_shared>>
          %dma_start3A_502 = arith.constant 0 : i32
          %dma_start3A_503 = tpu.memref_slice %arg10[%select_n3A_167, %add3A_495, %dma_start3A_502] : memref<3x64x384xf32, #tpu.memory_space<vmem>> -> memref<1x1x384xf32, #tpu.memory_space<vmem>>
          %dma_start3A_504 = tpu.memref_squeeze %dma_start3A_503 : memref<1x1x384xf32, #tpu.memory_space<vmem>> -> memref<384xf32, #tpu.memory_space<vmem>>
          %dma_start3A_505 = arith.constant 0 : i32
          %dma_start3A_506 = tpu.memref_slice %arg11[%squeeze3A_491, %dma_start3A_505] : memref<1024x384xf32, #tpu.memory_space<vmem_shared>> -> memref<1x384xf32, #tpu.memory_space<vmem_shared>>
          %dma_start3A_507 = tpu.memref_squeeze %dma_start3A_506 : memref<1x384xf32, #tpu.memory_space<vmem_shared>> -> memref<384xf32, #tpu.memory_space<vmem_shared>>
          tpu.enqueue_dma source(%dma_start3A_507 : memref<384xf32, #tpu.memory_space<vmem_shared>>) target(%dma_start3A_504 : memref<384xf32, #tpu.memory_space<vmem>>) target_semaphore(%arg12 : memref<!tpu.dma_semaphore, #tpu.memory_space<semaphore_mem>>)
          %slice3A_508 = vector.extract_strided_slice %get3A_257 {offsets = [14], sizes = [1], strides = [1]} : vector<16xi32> to vector<1xi32>
          %squeeze3A_509 = vector.extract %slice3A_508[0] : i32 from vector<1xi32>
          %mul3A_510 = arith.constant 16 : i32
          %mul3A_511 = arith.muli %scan3A_253, %mul3A_510 : i32
          %add3A_512 = arith.constant 14 : i32
          %add3A_513 = arith.addi %mul3A_511, %add3A_512 : i32
          %dma_start3A_514 = arith.constant 0 : i32
          %dma_start3A_515 = tpu.memref_slice %arg10[%select_n3A_167, %add3A_513, %dma_start3A_514] : memref<3x64x384xf32, #tpu.memory_space<vmem>> -> memref<1x1x384xf32, #tpu.memory_space<vmem>>
          %dma_start3A_516 = tpu.memref_squeeze %dma_start3A_515 : memref<1x1x384xf32, #tpu.memory_space<vmem>> -> memref<384xf32, #tpu.memory_space<vmem>>
          %dma_start3A_517 = arith.constant 0 : i32
          %dma_start3A_518 = tpu.memref_slice %arg11[%squeeze3A_509, %dma_start3A_517] : memref<1024x384xf32, #tpu.memory_space<vmem_shared>> -> memref<1x384xf32, #tpu.memory_space<vmem_shared>>
          %dma_start3A_519 = tpu.memref_squeeze %dma_start3A_518 : memref<1x384xf32, #tpu.memory_space<vmem_shared>> -> memref<384xf32, #tpu.memory_space<vmem_shared>>
          %dma_start3A_520 = arith.constant 0 : i32
          %dma_start3A_521 = tpu.memref_slice %arg10[%select_n3A_167, %add3A_513, %dma_start3A_520] : memref<3x64x384xf32, #tpu.memory_space<vmem>> -> memref<1x1x384xf32, #tpu.memory_space<vmem>>
          %dma_start3A_522 = tpu.memref_squeeze %dma_start3A_521 : memref<1x1x384xf32, #tpu.memory_space<vmem>> -> memref<384xf32, #tpu.memory_space<vmem>>
          %dma_start3A_523 = arith.constant 0 : i32
          %dma_start3A_524 = tpu.memref_slice %arg11[%squeeze3A_509, %dma_start3A_523] : memref<1024x384xf32, #tpu.memory_space<vmem_shared>> -> memref<1x384xf32, #tpu.memory_space<vmem_shared>>
          %dma_start3A_525 = tpu.memref_squeeze %dma_start3A_524 : memref<1x384xf32, #tpu.memory_space<vmem_shared>> -> memref<384xf32, #tpu.memory_space<vmem_shared>>
          tpu.enqueue_dma source(%dma_start3A_525 : memref<384xf32, #tpu.memory_space<vmem_shared>>) target(%dma_start3A_522 : memref<384xf32, #tpu.memory_space<vmem>>) target_semaphore(%arg12 : memref<!tpu.dma_semaphore, #tpu.memory_space<semaphore_mem>>)
          %slice3A_526 = vector.extract_strided_slice %get3A_257 {offsets = [15], sizes = [1], strides = [1]} : vector<16xi32> to vector<1xi32>
          %squeeze3A_527 = vector.extract %slice3A_526[0] : i32 from vector<1xi32>
          %mul3A_528 = arith.constant 16 : i32
          %mul3A_529 = arith.muli %scan3A_253, %mul3A_528 : i32
          %add3A_530 = arith.constant 15 : i32
          %add3A_531 = arith.addi %mul3A_529, %add3A_530 : i32
          %dma_start3A_532 = arith.constant 0 : i32
          %dma_start3A_533 = tpu.memref_slice %arg10[%select_n3A_167, %add3A_531, %dma_start3A_532] : memref<3x64x384xf32, #tpu.memory_space<vmem>> -> memref<1x1x384xf32, #tpu.memory_space<vmem>>
          %dma_start3A_534 = tpu.memref_squeeze %dma_start3A_533 : memref<1x1x384xf32, #tpu.memory_space<vmem>> -> memref<384xf32, #tpu.memory_space<vmem>>
          %dma_start3A_535 = arith.constant 0 : i32
          %dma_start3A_536 = tpu.memref_slice %arg11[%squeeze3A_527, %dma_start3A_535] : memref<1024x384xf32, #tpu.memory_space<vmem_shared>> -> memref<1x384xf32, #tpu.memory_space<vmem_shared>>
          %dma_start3A_537 = tpu.memref_squeeze %dma_start3A_536 : memref<1x384xf32, #tpu.memory_space<vmem_shared>> -> memref<384xf32, #tpu.memory_space<vmem_shared>>
          %dma_start3A_538 = arith.constant 0 : i32
          %dma_start3A_539 = tpu.memref_slice %arg10[%select_n3A_167, %add3A_531, %dma_start3A_538] : memref<3x64x384xf32, #tpu.memory_space<vmem>> -> memref<1x1x384xf32, #tpu.memory_space<vmem>>
          %dma_start3A_540 = tpu.memref_squeeze %dma_start3A_539 : memref<1x1x384xf32, #tpu.memory_space<vmem>> -> memref<384xf32, #tpu.memory_space<vmem>>
          %dma_start3A_541 = arith.constant 0 : i32
          %dma_start3A_542 = tpu.memref_slice %arg11[%squeeze3A_527, %dma_start3A_541] : memref<1024x384xf32, #tpu.memory_space<vmem_shared>> -> memref<1x384xf32, #tpu.memory_space<vmem_shared>>
          %dma_start3A_543 = tpu.memref_squeeze %dma_start3A_542 : memref<1x384xf32, #tpu.memory_space<vmem_shared>> -> memref<384xf32, #tpu.memory_space<vmem_shared>>
          tpu.enqueue_dma source(%dma_start3A_543 : memref<384xf32, #tpu.memory_space<vmem_shared>>) target(%dma_start3A_540 : memref<384xf32, #tpu.memory_space<vmem>>) target_semaphore(%arg12 : memref<!tpu.dma_semaphore, #tpu.memory_space<semaphore_mem>>)
        }
        %scan3A_224 = arith.constant 4 : i32
        %dma_wait3A_225 = arith.constant 0 : i32
        %dma_wait3A_226 = arith.constant 0 : i32
        %dma_wait3A_227 = tpu.memref_slice %arg10[%select_n3A_167, %dma_wait3A_225, %dma_wait3A_226] : memref<3x64x384xf32, #tpu.memory_space<vmem>> -> memref<1x64x384xf32, #tpu.memory_space<vmem>>
        %dma_wait3A_228 = tpu.memref_squeeze %dma_wait3A_227 : memref<1x64x384xf32, #tpu.memory_space<vmem>> -> memref<64x384xf32, #tpu.memory_space<vmem>>
        %dma_wait3A_229 = arith.constant 0 : i32
        %dma_wait3A_230 = arith.constant 0 : i32
        %dma_wait3A_231 = tpu.memref_slice %arg11[%dma_wait3A_229, %dma_wait3A_230] : memref<1024x384xf32, #tpu.memory_space<vmem_shared>> -> memref<64x384xf32, #tpu.memory_space<vmem_shared>>
        %dma_wait3A_232 = arith.constant 0 : i32
        %dma_wait3A_233 = arith.constant 0 : i32
        %dma_wait3A_234 = tpu.memref_slice %arg10[%select_n3A_167, %dma_wait3A_232, %dma_wait3A_233] : memref<3x64x384xf32, #tpu.memory_space<vmem>> -> memref<1x64x384xf32, #tpu.memory_space<vmem>>
        %dma_wait3A_235 = tpu.memref_squeeze %dma_wait3A_234 : memref<1x64x384xf32, #tpu.memory_space<vmem>> -> memref<64x384xf32, #tpu.memory_space<vmem>>
        %dma_wait3A_236 = arith.constant 0 : i32
        %dma_wait3A_237 = arith.constant 0 : i32
        %dma_wait3A_238 = tpu.memref_slice %arg11[%dma_wait3A_236, %dma_wait3A_237] : memref<1024x384xf32, #tpu.memory_space<vmem_shared>> -> memref<64x384xf32, #tpu.memory_space<vmem_shared>>
        tpu.wait_dma2 semaphore(%arg12 : memref<!tpu.dma_semaphore, #tpu.memory_space<semaphore_mem>>) src(%dma_wait3A_238 : memref<64x384xf32, #tpu.memory_space<vmem_shared>>) dst(%dma_wait3A_235 : memref<64x384xf32, #tpu.memory_space<vmem>>)
        %dma_start3A_239 = arith.constant 0 : i32
        %dma_start3A_240 = arith.constant 0 : i32
        %dma_start3A_241 = tpu.memref_slice %arg10[%select_n3A_167, %dma_start3A_239, %dma_start3A_240] : memref<3x64x384xf32, #tpu.memory_space<vmem>> -> memref<1x64x384xf32, #tpu.memory_space<vmem>>
        %dma_start3A_242 = tpu.memref_squeeze %dma_start3A_241 : memref<1x64x384xf32, #tpu.memory_space<vmem>> -> memref<64x384xf32, #tpu.memory_space<vmem>>
        %dma_start3A_243 = arith.constant 0 : i32
        %dma_start3A_244 = tpu.memref_slice %arg5[%select_n3A_134, %mul3A_151, %dma_start3A_243] : memref<257x257x384xf32, #tpu.memory_space<hbm>> -> memref<1x64x384xf32, #tpu.memory_space<hbm>>
        %dma_start3A_245 = tpu.memref_squeeze %dma_start3A_244 : memref<1x64x384xf32, #tpu.memory_space<hbm>> -> memref<64x384xf32, #tpu.memory_space<hbm>>
        %dma_start3A_246 = arith.constant 0 : i32
        %dma_start3A_247 = tpu.memref_slice %arg5[%select_n3A_134, %mul3A_151, %dma_start3A_246] : memref<257x257x384xf32, #tpu.memory_space<hbm>> -> memref<1x64x384xf32, #tpu.memory_space<hbm>>
        %dma_start3A_248 = tpu.memref_squeeze %dma_start3A_247 : memref<1x64x384xf32, #tpu.memory_space<hbm>> -> memref<64x384xf32, #tpu.memory_space<hbm>>
        %dma_start3A_249 = arith.constant 0 : i32
        %dma_start3A_250 = arith.constant 0 : i32
        %dma_start3A_251 = tpu.memref_slice %arg10[%select_n3A_167, %dma_start3A_249, %dma_start3A_250] : memref<3x64x384xf32, #tpu.memory_space<vmem>> -> memref<1x64x384xf32, #tpu.memory_space<vmem>>
        %dma_start3A_252 = tpu.memref_squeeze %dma_start3A_251 : memref<1x64x384xf32, #tpu.memory_space<vmem>> -> memref<64x384xf32, #tpu.memory_space<vmem>>
        tpu.enqueue_dma source(%dma_start3A_252 : memref<64x384xf32, #tpu.memory_space<vmem>>) target(%dma_start3A_248 : memref<64x384xf32, #tpu.memory_space<hbm>>) target_semaphore(%arg13 : memref<!tpu.dma_semaphore, #tpu.memory_space<semaphore_mem>>)
      } else {
      }
    }
    %scan3A_51 = arith.constant 33 : i32
    %dma_wait3A = arith.constant 0 : i32
    %dma_wait3A_52 = arith.constant 0 : i32
    %dma_wait3A_53 = arith.constant 0 : i32
    %dma_wait3A_54 = arith.constant 0 : i32
    %dma_wait3A_55 = tpu.memref_slice %arg10[%dma_wait3A, %dma_wait3A_53, %dma_wait3A_54] : memref<3x64x384xf32, #tpu.memory_space<vmem>> -> memref<1x64x384xf32, #tpu.memory_space<vmem>>
    %dma_wait3A_56 = tpu.memref_squeeze %dma_wait3A_55 : memref<1x64x384xf32, #tpu.memory_space<vmem>> -> memref<64x384xf32, #tpu.memory_space<vmem>>
    %dma_wait3A_57 = arith.constant 0 : i32
    %dma_wait3A_58 = arith.constant 0 : i32
    %dma_wait3A_59 = tpu.memref_slice %arg5[%dma_wait3A_52, %dma_wait3A_57, %dma_wait3A_58] : memref<257x257x384xf32, #tpu.memory_space<hbm>> -> memref<1x64x384xf32, #tpu.memory_space<hbm>>
    %dma_wait3A_60 = tpu.memref_squeeze %dma_wait3A_59 : memref<1x64x384xf32, #tpu.memory_space<hbm>> -> memref<64x384xf32, #tpu.memory_space<hbm>>
    %dma_wait3A_61 = arith.constant 0 : i32
    %dma_wait3A_62 = arith.constant 0 : i32
    %dma_wait3A_63 = tpu.memref_slice %arg5[%dma_wait3A_52, %dma_wait3A_61, %dma_wait3A_62] : memref<257x257x384xf32, #tpu.memory_space<hbm>> -> memref<1x64x384xf32, #tpu.memory_space<hbm>>
    %dma_wait3A_64 = tpu.memref_squeeze %dma_wait3A_63 : memref<1x64x384xf32, #tpu.memory_space<hbm>> -> memref<64x384xf32, #tpu.memory_space<hbm>>
    %dma_wait3A_65 = arith.constant 0 : i32
    %dma_wait3A_66 = arith.constant 0 : i32
    %dma_wait3A_67 = tpu.memref_slice %arg10[%dma_wait3A, %dma_wait3A_65, %dma_wait3A_66] : memref<3x64x384xf32, #tpu.memory_space<vmem>> -> memref<1x64x384xf32, #tpu.memory_space<vmem>>
    %dma_wait3A_68 = tpu.memref_squeeze %dma_wait3A_67 : memref<1x64x384xf32, #tpu.memory_space<vmem>> -> memref<64x384xf32, #tpu.memory_space<vmem>>
    tpu.wait_dma2 semaphore(%arg13 : memref<!tpu.dma_semaphore, #tpu.memory_space<semaphore_mem>>) src(%dma_wait3A_68 : memref<64x384xf32, #tpu.memory_space<vmem>>) dst(%dma_wait3A_64 : memref<64x384xf32, #tpu.memory_space<hbm>>)
    %dma_wait3A_69 = arith.constant 0 : i32
    %dma_wait3A_70 = arith.constant 0 : i32
    %dma_wait3A_71 = arith.constant 0 : i32
    %dma_wait3A_72 = arith.constant 0 : i32
    %dma_wait3A_73 = tpu.memref_slice %arg10[%dma_wait3A_69, %dma_wait3A_71, %dma_wait3A_72] : memref<3x64x384xf32, #tpu.memory_space<vmem>> -> memref<1x64x384xf32, #tpu.memory_space<vmem>>
    %dma_wait3A_74 = tpu.memref_squeeze %dma_wait3A_73 : memref<1x64x384xf32, #tpu.memory_space<vmem>> -> memref<64x384xf32, #tpu.memory_space<vmem>>
    %dma_wait3A_75 = arith.constant 0 : i32
    %dma_wait3A_76 = arith.constant 0 : i32
    %dma_wait3A_77 = tpu.memref_slice %arg5[%dma_wait3A_70, %dma_wait3A_75, %dma_wait3A_76] : memref<257x257x384xf32, #tpu.memory_space<hbm>> -> memref<1x64x384xf32, #tpu.memory_space<hbm>>
    %dma_wait3A_78 = tpu.memref_squeeze %dma_wait3A_77 : memref<1x64x384xf32, #tpu.memory_space<hbm>> -> memref<64x384xf32, #tpu.memory_space<hbm>>
    %dma_wait3A_79 = arith.constant 0 : i32
    %dma_wait3A_80 = arith.constant 0 : i32
    %dma_wait3A_81 = tpu.memref_slice %arg5[%dma_wait3A_70, %dma_wait3A_79, %dma_wait3A_80] : memref<257x257x384xf32, #tpu.memory_space<hbm>> -> memref<1x64x384xf32, #tpu.memory_space<hbm>>
    %dma_wait3A_82 = tpu.memref_squeeze %dma_wait3A_81 : memref<1x64x384xf32, #tpu.memory_space<hbm>> -> memref<64x384xf32, #tpu.memory_space<hbm>>
    %dma_wait3A_83 = arith.constant 0 : i32
    %dma_wait3A_84 = arith.constant 0 : i32
    %dma_wait3A_85 = tpu.memref_slice %arg10[%dma_wait3A_69, %dma_wait3A_83, %dma_wait3A_84] : memref<3x64x384xf32, #tpu.memory_space<vmem>> -> memref<1x64x384xf32, #tpu.memory_space<vmem>>
    %dma_wait3A_86 = tpu.memref_squeeze %dma_wait3A_85 : memref<1x64x384xf32, #tpu.memory_space<vmem>> -> memref<64x384xf32, #tpu.memory_space<vmem>>
    tpu.wait_dma2 semaphore(%arg13 : memref<!tpu.dma_semaphore, #tpu.memory_space<semaphore_mem>>) src(%dma_wait3A_86 : memref<64x384xf32, #tpu.memory_space<vmem>>) dst(%dma_wait3A_82 : memref<64x384xf32, #tpu.memory_space<hbm>>)
    %dma_wait3A_87 = arith.constant 0 : i32
    %dma_wait3A_88 = arith.constant 0 : i32
    %dma_wait3A_89 = arith.constant 0 : i32
    %dma_wait3A_90 = arith.constant 0 : i32
    %dma_wait3A_91 = tpu.memref_slice %arg10[%dma_wait3A_87, %dma_wait3A_89, %dma_wait3A_90] : memref<3x64x384xf32, #tpu.memory_space<vmem>> -> memref<1x64x384xf32, #tpu.memory_space<vmem>>
    %dma_wait3A_92 = tpu.memref_squeeze %dma_wait3A_91 : memref<1x64x384xf32, #tpu.memory_space<vmem>> -> memref<64x384xf32, #tpu.memory_space<vmem>>
    %dma_wait3A_93 = arith.constant 0 : i32
    %dma_wait3A_94 = arith.constant 0 : i32
    %dma_wait3A_95 = tpu.memref_slice %arg5[%dma_wait3A_88, %dma_wait3A_93, %dma_wait3A_94] : memref<257x257x384xf32, #tpu.memory_space<hbm>> -> memref<1x64x384xf32, #tpu.memory_space<hbm>>
    %dma_wait3A_96 = tpu.memref_squeeze %dma_wait3A_95 : memref<1x64x384xf32, #tpu.memory_space<hbm>> -> memref<64x384xf32, #tpu.memory_space<hbm>>
    %dma_wait3A_97 = arith.constant 0 : i32
    %dma_wait3A_98 = arith.constant 0 : i32
    %dma_wait3A_99 = tpu.memref_slice %arg5[%dma_wait3A_88, %dma_wait3A_97, %dma_wait3A_98] : memref<257x257x384xf32, #tpu.memory_space<hbm>> -> memref<1x64x384xf32, #tpu.memory_space<hbm>>
    %dma_wait3A_100 = tpu.memref_squeeze %dma_wait3A_99 : memref<1x64x384xf32, #tpu.memory_space<hbm>> -> memref<64x384xf32, #tpu.memory_space<hbm>>
    %dma_wait3A_101 = arith.constant 0 : i32
    %dma_wait3A_102 = arith.constant 0 : i32
    %dma_wait3A_103 = tpu.memref_slice %arg10[%dma_wait3A_87, %dma_wait3A_101, %dma_wait3A_102] : memref<3x64x384xf32, #tpu.memory_space<vmem>> -> memref<1x64x384xf32, #tpu.memory_space<vmem>>
    %dma_wait3A_104 = tpu.memref_squeeze %dma_wait3A_103 : memref<1x64x384xf32, #tpu.memory_space<vmem>> -> memref<64x384xf32, #tpu.memory_space<vmem>>
    tpu.wait_dma2 semaphore(%arg13 : memref<!tpu.dma_semaphore, #tpu.memory_space<semaphore_mem>>) src(%dma_wait3A_104 : memref<64x384xf32, #tpu.memory_space<vmem>>) dst(%dma_wait3A_100 : memref<64x384xf32, #tpu.memory_space<hbm>>)
    return
  }
}

module attributes {stable_mosaic.version = 14 : i64} {
  func.func @body(%arg0: i32, %arg1: memref<257x257x384xf32, #tpu.memory_space<hbm>>, %arg2: memref<32x192xf32, #tpu.memory_space<vmem>>, %arg3: memref<32x192xf32, #tpu.memory_space<vmem>>, %arg4: memref<257x1xi32, #tpu.memory_space<vmem>>, %arg5: memref<257x1xi32, #tpu.memory_space<vmem>>, %arg6: memref<257x8x384xf32, #tpu.memory_space<vmem>>) attributes {dimension_semantics = [#tpu.dimension_semantics<arbitrary>], iteration_bounds = array<i64: 1>, scalar_prefetch = 0 : i64, scratch_operands = 0 : i64, tpu.core_type = #tpu.core_type<tc>, window_params = [{}, {pipeline_mode = #tpu.pipeline_mode<synchronous>, transform_indices = @transform_1, window_bounds = array<i64: 32, 192>}, {pipeline_mode = #tpu.pipeline_mode<synchronous>, transform_indices = @transform_2, window_bounds = array<i64: 32, 192>}, {pipeline_mode = #tpu.pipeline_mode<synchronous>, transform_indices = @transform_3, window_bounds = array<i64: 257, 1>}, {pipeline_mode = #tpu.pipeline_mode<synchronous>, transform_indices = @transform_4, window_bounds = array<i64: 257, 1>}, {transform_indices = @transform_5, window_bounds = array<i64: 257, 8, 384>}]} {
    %iota3A = tpu.iota {dimensions = array<i32: 1>} : vector<1x32xi32>
    %iota3A_0 = vector.shape_cast %iota3A : vector<1x32xi32> to vector<32xi32>
    %broadcast_in_dim3A = vector.shape_cast %iota3A_0 : vector<32xi32> to vector<1x32xi32>
    %get3A = arith.constant 0 : index
    %get3A_1 = arith.constant 0 : index
    %get3A_2 = vector.load %arg4[%get3A, %get3A_1] : memref<257x1xi32, #tpu.memory_space<vmem>>, vector<257x1xi32>
    %eq3A = vector.broadcast %get3A_2 : vector<257x1xi32> to vector<257x32xi32>
    %eq3A_3 = vector.broadcast %broadcast_in_dim3A : vector<1x32xi32> to vector<257x32xi32>
    %eq3A_4 = arith.cmpi eq, %eq3A, %eq3A_3 : vector<257x32xi32>
    %convert_element_type3A = arith.extui %eq3A_4 : vector<257x32xi1> to vector<257x32xi32>
    %convert_element_type3A_5 = arith.sitofp %convert_element_type3A : vector<257x32xi32> to vector<257x32xf32>
    %get3A_6 = arith.constant 0 : index
    %get3A_7 = arith.constant 0 : index
    %get3A_8 = vector.load %arg5[%get3A_6, %get3A_7] : memref<257x1xi32, #tpu.memory_space<vmem>>, vector<257x1xi32>
    %eq3A_9 = vector.broadcast %get3A_8 : vector<257x1xi32> to vector<257x32xi32>
    %eq3A_10 = vector.broadcast %broadcast_in_dim3A : vector<1x32xi32> to vector<257x32xi32>
    %eq3A_11 = arith.cmpi eq, %eq3A_9, %eq3A_10 : vector<257x32xi32>
    %convert_element_type3A_12 = arith.extui %eq3A_11 : vector<257x32xi1> to vector<257x32xi32>
    %convert_element_type3A_13 = arith.sitofp %convert_element_type3A_12 : vector<257x32xi32> to vector<257x32xf32>
    %get3A_14 = arith.constant 0 : index
    %get3A_15 = arith.constant 0 : index
    %get3A_16 = vector.load %arg2[%get3A_14, %get3A_15] : memref<32x192xf32, #tpu.memory_space<vmem>>, vector<32x192xf32>
    %dot_general3A = arith.constant dense<0.000000e+00> : vector<257x192xf32>
    %dot_general3A_17 = tpu.matmul %convert_element_type3A_5, %get3A_16, %dot_general3A {dimension_numbers = #tpu.dot_dimension_numbers<[1], [0], [0], [1], [0, 0, 1, 1], [], []>, precision = #tpu.contract_precision<fp32>, transpose_lhs_hint = false} : vector<257x32xf32>, vector<32x192xf32>, vector<257x192xf32> -> vector<257x192xf32>
    %get3A_18 = arith.constant 0 : index
    %get3A_19 = arith.constant 0 : index
    %get3A_20 = vector.load %arg3[%get3A_18, %get3A_19] : memref<32x192xf32, #tpu.memory_space<vmem>>, vector<32x192xf32>
    %dot_general3A_21 = arith.constant dense<0.000000e+00> : vector<257x192xf32>
    %dot_general3A_22 = tpu.matmul %convert_element_type3A_13, %get3A_20, %dot_general3A_21 {dimension_numbers = #tpu.dot_dimension_numbers<[1], [0], [0], [1], [0, 0, 1, 1], [], []>, precision = #tpu.contract_precision<fp32>, transpose_lhs_hint = false} : vector<257x32xf32>, vector<32x192xf32>, vector<257x192xf32> -> vector<257x192xf32>
    %concatenate3A = tpu.concatenate %dot_general3A_17, %dot_general3A_22 in 1 : vector<257x192xf32>, vector<257x192xf32> -> vector<257x384xf32>
    %swap3A = arith.constant 0 : index
    %swap3A_23 = arith.constant 0 : index
    %swap3A_24 = arith.constant 0 : index
    %swap3A_25 = vector.load %arg6[%swap3A, %swap3A_23, %swap3A_24] : memref<257x8x384xf32, #tpu.memory_space<vmem>>, vector<257x1x384xf32>
    %swap3A_26 = vector.shape_cast %swap3A_25 : vector<257x1x384xf32> to vector<257x384xf32>
    %swap3A_27 = vector.shape_cast %concatenate3A : vector<257x384xf32> to vector<257x1x384xf32>
    tpu.vector_store %arg6[%swap3A, %swap3A_23, %swap3A_24], %swap3A_27 {strides = array<i32>} : memref<257x8x384xf32, #tpu.memory_space<vmem>>, vector<257x1x384xf32>,
    return
  }
  func.func @transform_1(%arg0: i32) -> (i32, i32) {
    %c0_i32 = arith.constant 0 : i32
    %c0_i32_0 = arith.constant 0 : i32
    %c0_i32_1 = arith.constant 0 : i32
    return %c0_i32, %c0_i32_0 : i32, i32
  }
  func.func @transform_2(%arg0: i32) -> (i32, i32) {
    %c0_i32 = arith.constant 0 : i32
    %c0_i32_0 = arith.constant 0 : i32
    %c0_i32_1 = arith.constant 0 : i32
    return %c0_i32, %c0_i32_0 : i32, i32
  }
  func.func @transform_3(%arg0: i32) -> (i32, i32) {
    %c0_i32 = arith.constant 0 : i32
    %c0_i32_0 = arith.constant 0 : i32
    %c0_i32_1 = arith.constant 0 : i32
    return %c0_i32, %c0_i32_0 : i32, i32
  }
  func.func @transform_4(%arg0: i32) -> (i32, i32) {
    %c0_i32 = arith.constant 0 : i32
    %c0_i32_0 = arith.constant 0 : i32
    %c0_i32_1 = arith.constant 0 : i32
    return %c0_i32, %c0_i32_0 : i32, i32
  }
  func.func @transform_5(%arg0: i32) -> (i32, i32, i32) {
    %c0_i32 = arith.constant 0 : i32
    %c32_i32 = arith.constant 32 : i32
    %c0_i32_0 = arith.constant 0 : i32
    %c0_i32_1 = arith.constant 0 : i32
    return %c0_i32, %c32_i32, %c0_i32_0 : i32, i32, i32
  }
}

</mosaic_0001>

<sc_bundles>
// kernel: kernel.4.cloned.1.call-start
scs
__scs_entry_jumppad:
0x0: {  	(pc) =	sbr.rel $0x88, $3  }
0x1: {  	(tag) =	ssettag $0x0;
	lr =	simm.s32 $0x1  }
0x2: {  	[smem:$0x3F9D] =	sst lr;
	_ =	strace $0xD0000000  }
0x3: {  	_ = 	snop  }
0x4: {  	_ = 	snop  }
0x5: {  	_ = 	snop  }
0x6: {  	_ = 	snop  }
0x7: {  	_ = 	snop  }
__scs_overlays_trampoline_lowered:
0x8: {  	[smem:$0x3FAC] =	sst s0  }
0x9: {  	[smem:$0x3FAD] =	sst s1  }
0xa: {  	[smem:$0x3FAE] =	sst s2  }
0xb: {  	[smem:$0x3FAF] =	sst s3  }
0xc: {  	[smem:$0x3FB0] =	sst s4  }
0xd: {  	[smem:$0x3FB1] =	sst s5  }
0xe: {  	[smem:$0x3FB2] =	sst s6  }
0xf: {  	[smem:$0x3FB3] =	sst s7  }
0x10: {  	[smem:$0x3FB4] =	sst s8  }
0x11: {  	[smem:$0x3FB5] =	sst s9;
	s0 =	simm.s32 @!p0 $0x0  }
0x12: {  	s1 =	sld [smem:$0x3F9B];
	s0 =	simm.s32 @p0 $0x1  }
0x13: {  	[smem:$0x3FB6] =	sst s0;
	s0 =	simm.s32 @!p1 $0x0  }
0x14: {  	s2 =	sld [smem:$0x3F9A];
	s0 =	simm.s32 @p1 $0x1  }
0x15: {  	[smem:$0x3FB7] =	sst s0;
	s0 =	simm.s32 @!p2 $0x0  }
0x16: {  	s3 =	sld [smem:$0x3FDB];
	s0 =	simm.s32 @p2 $0x1  }
0x17: {  	s4 =	simm.s32 $0x1BF5;
	[smem:$0x3FB9] =	sst s0  }
0x18: {  	s0 =	sld [smem:$0x3F9C];
	_ =	swait.ge [sflag:s4], $0x0  }
0x19: {  	s7 =	sld [smem:$0x3F9D]  }
0x1a: {  	s8 =	sadd.s32 $0xFFFFE003, lr  }
0x1b: {  	s9 =	sadd.s32 $0xFFFFFEF7, lr;
	s5 =	simm.s32 $0xFFFFFFFF;
	p2 =	slt.u32 s8, $0xFFFFF086  }
0x1c: {  	p1 =	slt.u32 s9, $0xF7A;
	s5 =	simm.s32 @!p2 $0x0  }
0x1d: {  	s5 =	simm.s32 @p1 $0x1;
	p0 =	seq.s32 s7, s2  }
0x1e: {  	s7 =	smul.u32 @!p0 $0xF7A, s2;
	p2 =	seq.s32 @!p0 s5, $0x0  }
0x1f: {  	s9 =	smul.u32 $0xF7A, s1;
	s8 =	simm.s32 @!p0 $0x1BF5;
	p2 =	por !p2, p0  }
0x20: {  	[sflag:s8] =	ssyncset.s32 @!p0 $0xFFFFF086;
	s6 =	sadd.s32 @!p0 s3, s7;
	s7 =	simm.s32 @!p0 $0x108  }
0x21: {  	s3 =	sadd.s32 s3, s9;
	s6 =	sadd.s32 @!p0 $0x88, s6;
	s7 =	simm.s32 @p2 $0x1082  }
0x22: {  	[simem:s7], [sflag:s8] =	dma.local @!p0 [hbm:s6], $0xF7A  }
0x23: {  	s9 =	sor.u32 $0xD0000000, s2;
	s6 =	simm.s32 $0x108;
	_ =	swait.ge @!p0 [sflag:s8], $0x0  }
0x24: {  	s3 =	sadd.s32 $0x88, s3;
	s6 =	simm.s32 @!p1 $0x1082;
	[sflag:s4] =	ssyncset.s32 $0xFFFFF086  }
0x25: {  	[simem:s6], [sflag:s4] =	dma.local [hbm:s3], $0xF7A  }
0x26: {  	[smem:$0x3F9D] =	sst s1;
	(tag) =	ssettag s2;
	_ =	strace s9  }
0x27: {  	s1 =	sld [smem:$0x3FAD]  }
0x28: {  	s2 =	sld [smem:$0x3FAE]  }
0x29: {  	s4 =	sld [smem:$0x3FB0]  }
0x2a: {  	p0 =	seq.s32 s5, $0x0;
	s5 =	sld [smem:$0x3FB1]  }
0x2b: {  	s6 =	sld [smem:$0x3FB2]  }
0x2c: {  	s7 =	sld [smem:$0x3FB3]  }
0x2d: {  	s3 =	simm.s32 $0x108;
	s8 =	sld [smem:$0x3FB4]  }
0x2e: {  	s3 =	simm.s32 @!p0 $0x1082;
	s9 =	sld [smem:$0x3FB5]  }
0x2f: {  	lr =	sadd.s32 s0, s3;
	s0 =	sld [smem:$0x3FAC]  }
0x30: {  	s3 =	sld [smem:$0x3FAF]  }
0x31: {  	[smem:$0x3FB8] =	sst s10  }
0x32: {  	s10 =	sld [smem:$0x3FB6];
	_ =	sdelay $0x3  }
0x33: {  	p0 =	seq.s32 s10, $0x1;
	s10 =	sld [smem:$0x3FB8];
	_ =	sdelay $0x3  }
0x34: {  	[smem:$0x3FB8] =	sst s10  }
0x35: {  	s10 =	sld [smem:$0x3FB7];
	_ =	sdelay $0x3  }
0x36: {  	p1 =	seq.s32 s10, $0x1;
	s10 =	sld [smem:$0x3FB8];
	_ =	sdelay $0x3  }
0x37: {  	[smem:$0x3FB8] =	sst s10  }
0x38: {  	s10 =	sld [smem:$0x3FB9]  }
0x39: {  	_ = 	snop;
	(pc) =	sbr.ind lr, $3  }
0x3a: {  	_ = 	snop  }
0x3b: {  	_ = 	snop  }
0x3c: {  	p2 =	seq.s32 s10, $0x1;
	s10 =	sld [smem:$0x3FB8]  }
0x3d: {  	_ =	shalt  }
0x3e: {  	_ =	shalt  }
0x3f: {  	_ =	shalt  }
0x40: {  	_ =	shalt  }
0x41: {  	_ =	shalt  }
0x42: {  	_ =	shalt  }
0x43: {  	_ =	shalt  }
0x44: {  	_ =	shalt  }
0x45: {  	_ =	shalt  }
0x46: {  	_ =	shalt  }
0x47: {  	_ =	shalt  }
0x48: {  	_ =	shalt  }
0x49: {  	_ =	shalt  }
0x4a: {  	_ =	shalt  }
0x4b: {  	_ =	shalt  }
0x4c: {  	_ =	shalt  }
0x4d: {  	_ =	shalt  }
0x4e: {  	_ =	shalt  }
0x4f: {  	_ =	shalt  }
0x50: {  	_ =	shalt  }
0x51: {  	_ =	shalt  }
0x52: {  	_ =	shalt  }
0x53: {  	_ =	shalt  }
0x54: {  	_ =	shalt  }
0x55: {  	_ =	shalt  }
0x56: {  	_ =	shalt  }
0x57: {  	_ =	shalt  }
0x58: {  	_ =	shalt  }
0x59: {  	_ =	shalt  }
0x5a: {  	_ =	shalt  }
0x5b: {  	_ =	shalt  }
0x5c: {  	_ =	shalt  }
0x5d: {  	_ =	shalt  }
0x5e: {  	_ =	shalt  }
0x5f: {  	_ =	shalt  }
0x60: {  	_ =	shalt  }
0x61: {  	_ =	shalt  }
0x62: {  	_ =	shalt  }
0x63: {  	_ =	shalt  }
0x64: {  	_ =	shalt  }
0x65: {  	_ =	shalt  }
0x66: {  	_ =	shalt  }
0x67: {  	_ =	shalt  }
0x68: {  	_ =	shalt  }
0x69: {  	_ =	shalt  }
0x6a: {  	_ =	shalt  }
0x6b: {  	_ =	shalt  }
0x6c: {  	_ =	shalt  }
0x6d: {  	_ =	shalt  }
0x6e: {  	_ =	shalt  }
0x6f: {  	_ =	shalt  }
0x70: {  	_ =	shalt  }
0x71: {  	_ =	shalt  }
0x72: {  	_ =	shalt  }
0x73: {  	_ =	shalt  }
0x74: {  	_ =	shalt  }
0x75: {  	_ =	shalt  }
0x76: {  	_ =	shalt  }
0x77: {  	_ =	shalt  }
0x78: {  	_ =	shalt  }
0x79: {  	_ =	shalt  }
0x7a: {  	_ =	shalt  }
0x7b: {  	_ =	shalt  }
0x7c: {  	_ =	shalt  }
0x7d: {  	_ =	shalt  }
0x7e: {  	_ =	shalt  }
0x7f: {  	_ =	shalt  }
0x80: {  	_ =	shalt  }
0x81: {  	_ =	shalt  }
0x82: {  	_ =	shalt  }
0x83: {  	_ =	shalt  }
0x84: {  	_ =	shalt  }
0x85: {  	_ =	shalt  }
0x86: {  	_ =	shalt  }
0x87: {  	_ =	shalt  }
.Lfunc_end0:
.L_simem_size_0:
called_computation_lowered:
.L_overlay_start_0:
0x88: {  	s2 =	sld [smem:$0x3FD9]  }
0x89: {  	s3 =	sld [smem:$0x3FFE];
	_ =	sdelay $0x1  }
0x8a: {  	s1 =	srdreg.scid  }
0x8b: {  	s0 =	sand.u32 $0x1, s1  }
0x8c: {  	s17 =	sshll.u32 s0, $0xA;
	s2 =	sadd.s32 s3, s2  }
0x8d: {  	s2 =	sadd.s32 s2, s17  }
0x8e: {  	[smem:$0x3FC4] =	sst s2  }
0x8f: {  	_ = 	snop  }
0x90: {  	s2 =	sld [smem:$0x3FD0];
	(tm) =	ssettm $0x1  }
0x91: {  	s18 =	sld [smem:$0x3FFB];
	_ =	sdelay $0x3  }
0x92: {  	_ =	strace s18  }
0x93: {  	s3 =	sld [smem:$0x3FFC];
	_ =	sdelay $0x3  }
0x94: {  	_ =	strace s3  }
0x95: {  	s3 =	sld [smem:$0x3FFD];
	_ =	sdelay $0x3  }
0x96: {  	_ =	strace s3  }
0x97: {  	_ =	strace $0x8FFFFFFF  }
0x98: {  	s19 =	sld [smem:$0x3FDB];
	_ =	sdelay $0x1  }
0x99: {  	s4 =	simm.s32 $_scs_section_size  }
0x9a: {  	s5 =	simm.s32 $_size__tile_overlayer_lowered;
	s6 =	simm.s32 $_tile_overlayer_lowered  }
0x9b: {  	s22 =	simm.s32 $0x1BFF;
	s21 =	sshll.u32 s6, $0x1;
	s3 =	sadd.s32 s4, s19  }
0x9c: {  	s7 =	simm.s32 $0x0;
	s20 =	sshll.u32 s5, $0x1;
	s5 =	sadd.s32 s21, s3  }
0x9d: {  	[timem:s7], [sflag:s22] =	dma.local [hbm:s5], s20  }
0x9e: {  	_ =	swait.ge [sflag:s22], s20  }
0x9f: {  	s4 =	ssub.s32 $0x0, s20;
	[sflag:s22] =	ssyncset.done $0x0  }
0xa0: {  	[sflag:s22] =	ssyncadd.s32 s4;
	_ =	sdelay $0x1  }
0xa1: {  	s23 =	simm.s32 $0x1B8B  }
0xa2: {  	_ =	swait.ge [sflag:s23], $0x1  }
0xa3: {  	[sflag:s23] =	ssyncset.done $0x0  }
0xa4: {  	s25 =	simm.s32 $0x1B8E;
	s24 =	sld [smem:$0x3FFE];
	[sflag:s23] =	ssyncadd.s32 $0xFFFFFFFF  }
0xa5: {  	s26 =	simm.s32 $execute0_lowered;
	[smem:$0x3FD2] =	sst s25  }
0xa6: {  	s5 =	sshll.u32 s26, $0x1;
	_ =	strace $0x80000046;
	[dreg:$0x1] =	wrdreg $0xFFFFFFFF  }
0xa7: {  	s28 =	simm.s32 $_size_execute0_lowered;
	s3 =	sadd.s32 s3, s5;
	[dreg:$0x0] =	wrdreg $0x0  }
0xa8: {  	s5 =	sshll.u32 s28, $0x1;
	[dreg:$0x2] =	wrdreg s3  }
0xa9: {  	[dreg:$0x3] =	wrdreg s5  }
0xaa: {  	[dreg:$0x4] =	wrdreg $0xC0  }
0xab: {  	_ =	task [dreg:s7], $0x5FFFF  }
0xac: {  	[dreg:$0x1] =	wrdreg $0xFFFFFFFF  }
0xad: {  	[dreg:$0x0] =	wrdreg $0x60  }
0xae: {  	[dreg:$0x2] =	wrdreg s24  }
0xaf: {  	[dreg:$0x3] =	wrdreg s2  }
0xb0: {  	[dreg:$0x4] =	wrdreg $0x140000  }
0xb1: {  	[dreg:$0x5] =	wrdreg $0x9  }
0xb2: {  	_ =	task.clear_ibuf [dreg:s7], $0x6FFFF;
	_ =	strace $0x90000046  }
0xb3: {  	s29 =	simm.s32 $0x9;
	_ =	strace $0x80000048  }
0xb4: {  	_ =	swait.ge [sflag:s29], $0x1  }
0xb5: {  	[sflag:s29] =	ssyncadd.s32 $0xFFFFFFFF  }
0xb6: {  	_ =	strace $0x90000048  }
0xb7: {  	_ =	sfence  }
0xb8: {  	s30 =	sld [smem:$0x0];
	_ =	sdelay $0x2  }
0xb9: {  	s31 =	sshll.u32 s1, $0xD;
	s1 =	sshrl.u32 s1, $0x2  }
0xba: {  	s3 =	sand.u32 $0x4000, s31;
	s1 =	sadd.s32 s1, s30  }
0xbb: {  	s0 =	sor.u32 s3, s0;
	s1 =	sshll.u32 s1, $0x11  }
0xbc: {  	s0 =	sor.u32 s1, s0  }
0xbd: {  	s0 =	sadd.s32 $0x8F2B, s0  }
0xbe: {  	[sflag:s0] =	ssyncadd.remote.s32 $0x1  }
0xbf: {  	_ =	sfence.sel $0xFFFF  }
0xc0: {  	[dreg:$0x0] =	wrdreg $0xFFFFFFFF;
	(pc) =	sbr.abs _section_cstart, $3  }
0xc1: {  	[dreg:$0x1] =	wrdreg $0xFFFFFFFF  }
0xc2: {  	_ =	task.clear_ibuf [dreg:s7], $0x2FFFF;
	_ =	strace $0x9FFFFFFF  }
0xc3: {  	(tm) =	ssettm $0x7FFFFFFF  }
tec
execute0_lowered:
.L_overlay_start_1:
0x0: {  	(tag) =	ssettag $0x1  }
0x1: {  	s0 =	rddreg [dreg:$0x0]  }
0x2: {  	s24 =	rddreg [dreg:$0x2];
	s1 =	simm.s32 $0x0  }
0x3: {  	s6 =	stileid.u32;
	s2 =	srdreg.scid;
	s31 =	simm.s32 $0x0  }
0x4: {  	[smem:$0x7FF] =	sst s1;
	s18 =	smul.u32 $0x30, s6;
	s2 =	sand.u32 $0x1, s2  }
0x5: {  	s3 =	sadd.s32 $0xC00, s0;
	s7 =	sshll.u32 s6, $0x1;
	s5 =	smul.u32 $0x18000, s6  }
0x6: {  	s9 =	sadd.s32 $0x1000, s0;
	s22 =	sshrl.u32 s6, $0x1;
	s25 =	sshll.u32 s6, $0x8  }
0x7: {  	_ =	strace $0x80000047;
	[dreg:$0x1c] =	wrdreg s3;
	s19 =	ssub.s32 $0x2, s2  }
0x8: {  	[dreg:$0x1d] =	wrdreg s7;
	s10 =	sor.u32 s2, s7;
	s23 =	smul.u32 $0x60, s22  }
0x9: {  	s3 =	sand.u32 $0x100, s25;
	s2 =	sshll.u32 s2, $0x6;
	[dreg:$0x1e] =	wrdreg s9  }
0xa: {  	[smem:$0x7FD] =	sst s31;
	s1 =	sadd.s32 s18, s0;
	s4 =	sshrl.u32 s19, $0x1  }
0xb: {  	s21 =	sshrl.u32 s5, $0x2;
	s26 =	sshll.u32 s10, $0x3;
	s28 =	sor.u32 s2, s3  }
0xc: {  	[dreg:$0x1f] =	wrdreg s10;
	s20 =	ssub.s32 s19, s4;
	s1 =	sadd.s32 $0x800, s1  }
.Ltmp0:
0xd: {  	[smem:$0x7F8] =	sst s1;
	s1 =	sadd.s32 s21, s24;
	(pc) =	sbr.rel .LBB2_1-.Ltmp0, $4  }
0xe: {  	s29 =	sand.u32 $0x18, s26;
	s0 =	smax.u32 s20, $0x1;
	[smem:$0x7F9] =	sst s1  }
0xf: {  	s2 =	smul.u32 $0xC00, s29;
	s1 =	sadd.s32 s9, s23;
	[smem:$0x7FC] =	sst s0  }
0x10: {  	s30 =	sand.u32 $0x3, s10;
	[smem:$0x7FA] =	sst s1;
	s1 =	sadd.s32 $0x1980, s28  }
0x11: {  	p0 =	sne.s32 s30, $0x0;
	[smem:$0x7FB] =	sst s2;
	v0 =	vmov s1  }
.LBB2_9:
0x12: {  	s1 =	simm.s32 $0x2  }
0x13: {  	_ =	swait.ge [sflag:s1], $0x6000  }
0x14: {  	[sflag:s1] =	ssyncset.done $0x0  }
0x15: {  	[sflag:s1] =	ssyncadd.s32 $0xFFFFA000  }
0x16: {  	_ =	swait.ge [sflag:s1], $0x6000  }
0x17: {  	[sflag:s1] =	ssyncset.done $0x0  }
0x18: {  	[sflag:s1] =	ssyncadd.s32 $0xFFFFA000  }
0x19: {  	_ =	swait.ge [sflag:s1], $0x6000  }
0x1a: {  	s2 =	sld [smem:$0x7FD]  }
0x1b: {  	s0 =	sld [smem:$0x7FC];
	_ =	sdelay $0x1  }
0x1c: {  	s2 =	sadd.s32 $0x1, s2  }
0x1d: {  	p1 =	sne.s32 s2, s0  }
.Ltmp1:
0x1e: {  	_ = 	snop;
	(pc) =	sbr.rel @!p1 .LBB2_10-.Ltmp1, $3  }
0x1f: {  	_ =	sdelay $0x1  }
0x20: {  	[sflag:s1] =	ssyncset.done $0x0  }
0x21: {  	[sflag:s1] =	ssyncadd.s32 $0xFFFFA000;
	[smem:$0x7FD] =	sst s2  }
.LBB2_1:
0x22: {  	s0 =	sld [smem:$0x7F8];
	_ =	sdelay $0x1  }
0x23: {  	s3 =	simm.s32 $0x0;
	s2 =	simm.s32 $0x4  }
0x24: {  	[tilespmem:s3], [sflag:$0x4] =	stream.linear.gather [hbm4b:s0+s3], $0x180, $0x38;
	[tilespmem:$0x1A000] =	vst v63  }
0x25: {  	_ =	swait.ge [sflag:s2], $0x180  }
0x26: {  	[sflag:s2] =	ssyncset.done $0x0  }
0x27: {  	s1 =	simm.s32 $0x180;
	s23 =	rddreg [dreg:$0x1c];
	[sflag:s2] =	ssyncadd.s32 $0xFFFFFE80  }
0x28: {  	[tilespmem:s1], [sflag:$0x4] =	stream.linear.gather [hbm4b:s23+s3], $0x1800, $0x38;
	[tilespmem:$0x1A000] =	vst v63  }
0x29: {  	s25 =	simm.s32 $0x0;
	_ =	swait.ge [sflag:s2], $0x1800  }
0x2a: {  	s26 =	smul.u32 $0xC0, s25;
	[sflag:s2] =	ssyncset.done $0x0  }
0x2b: {  	[sflag:s2] =	ssyncadd.s32 $0xFFFFE800  }
0x2c: {  	s28 =	simm.s32 $0x0;
	v1 =	vld [tilespmem:s26+$0x0]  }
0x2d: {  	s0 =	smul.u32 $0x3000, s28;
	_ =	sdelay $0x1  }
0x2e: {  	s29 =	sand.u32 $0x1F, s3;
	s0 =	sshra.s32 s0, $0x2;
	s3 =	sand.u32 $0x380, s3  }
0x2f: {  	s0 =	sor.u32 s3, s0;
	s2 =	smul.u32 $0xC0, s29  }
0x30: {  	[tilespmem:s0+$0x2000] =	vst v1  }
0x31: {  	v1 =	vld [tilespmem:s2+$0x180];
	_ =	sdelay $0x4  }
0x32: {  	[tilespmem:s0+$0x2440] =	vst v1  }
0x33: {  	v1 =	vld [tilespmem:s26+$0x10];
	_ =	sdelay $0x4  }
0x34: {  	[tilespmem:s0+$0x2010] =	vst v1  }
0x35: {  	v1 =	vld [tilespmem:s2+$0x190];
	_ =	sdelay $0x4  }
0x36: {  	[tilespmem:s0+$0x2450] =	vst v1  }
0x37: {  	v1 =	vld [tilespmem:s26+$0x20];
	_ =	sdelay $0x4  }
0x38: {  	[tilespmem:s0+$0x2020] =	vst v1  }
0x39: {  	v1 =	vld [tilespmem:s2+$0x1A0];
	_ =	sdelay $0x4  }
0x3a: {  	[tilespmem:s0+$0x2460] =	vst v1  }
0x3b: {  	v1 =	vld [tilespmem:s26+$0x30];
	_ =	sdelay $0x4  }
0x3c: {  	[tilespmem:s0+$0x2030] =	vst v1  }
0x3d: {  	v1 =	vld [tilespmem:s2+$0x1B0];
	_ =	sdelay $0x4  }
0x3e: {  	[tilespmem:s0+$0x2470] =	vst v1  }
0x3f: {  	v1 =	vld [tilespmem:s26+$0x40];
	_ =	sdelay $0x4  }
0x40: {  	[tilespmem:s0+$0x2040] =	vst v1  }
0x41: {  	v1 =	vld [tilespmem:s2+$0x1C0];
	_ =	sdelay $0x4  }
0x42: {  	[tilespmem:s0+$0x2800] =	vst v1  }
0x43: {  	v1 =	vld [tilespmem:s26+$0x50];
	_ =	sdelay $0x4  }
0x44: {  	[tilespmem:s0+$0x2050] =	vst v1  }
0x45: {  	v1 =	vld [tilespmem:s2+$0x1D0];
	_ =	sdelay $0x4  }
0x46: {  	[tilespmem:s0+$0x2810] =	vst v1  }
0x47: {  	v1 =	vld [tilespmem:s26+$0x60];
	_ =	sdelay $0x4  }
0x48: {  	[tilespmem:s0+$0x2060] =	vst v1  }
0x49: {  	v1 =	vld [tilespmem:s2+$0x1E0];
	_ =	sdelay $0x4  }
0x4a: {  	[tilespmem:s0+$0x2820] =	vst v1  }
0x4b: {  	v1 =	vld [tilespmem:s26+$0x70];
	_ =	sdelay $0x4  }
0x4c: {  	[tilespmem:s0+$0x2070] =	vst v1  }
0x4d: {  	v1 =	vld [tilespmem:s2+$0x1F0];
	_ =	sdelay $0x4  }
0x4e: {  	s30 =	sand.u32 $0xC0, s26;
	[tilespmem:s0+$0x2830] =	vst v1  }
0x4f: {  	v1 =	vld [tilespmem:s30+$0x80];
	_ =	sdelay $0x2  }
0x50: {  	s31 =	sadd.s32 $0x80, s2  }
0x51: {  	s4 =	sand.u32 $0x40, s2;
	s3 =	sand.u32 $0x3F80, s31  }
0x52: {  	s3 =	sor.u32 s4, s3;
	[tilespmem:s0+$0x2400] =	vst v1  }
0x53: {  	v1 =	vld [tilespmem:s3+$0x180];
	_ =	sdelay $0x4  }
0x54: {  	[tilespmem:s0+$0x2840] =	vst v1  }
0x55: {  	v1 =	vld [tilespmem:s26+$0x90];
	_ =	sdelay $0x4  }
0x56: {  	[tilespmem:s0+$0x2410] =	vst v1  }
0x57: {  	v1 =	vld [tilespmem:s2+$0x210];
	_ =	sdelay $0x4  }
0x58: {  	[tilespmem:s0+$0x2850] =	vst v1  }
0x59: {  	v1 =	vld [tilespmem:s26+$0xA0];
	_ =	sdelay $0x4  }
0x5a: {  	[tilespmem:s0+$0x2420] =	vst v1  }
0x5b: {  	v1 =	vld [tilespmem:s2+$0x220];
	_ =	sdelay $0x4  }
0x5c: {  	[tilespmem:s0+$0x2860] =	vst v1  }
0x5d: {  	v1 =	vld [tilespmem:s26+$0xB0];
	_ =	sdelay $0x4  }
0x5e: {  	[tilespmem:s0+$0x2430] =	vst v1  }
0x5f: {  	v1 =	vld [tilespmem:s2+$0x230];
	_ =	sdelay $0x1  }
0x60: {  	s1 =	simm.s32 $0x1  }
0x61: {  	s4 =	simm.s32 $0x2;
	s3 =	simm.s32 $0x0;
	s2 =	simm.s32 $0x0  }
.LBB2_2:
0x62: {  	p1 =	sne.s32 s4, $0x3F;
	s5 =	smul.u32 $0xC0, s2  }
0x63: {  	[tilespmem:s0+$0x2870] =	vst v1  }
0x64: {  	s0 =	sshrl.u32 s1, $0x3;
	v1 =	vld [tilespmem:s5+$0x0]  }
0x65: {  	s0 =	smul.u32 $0x3000, s0  }
0x66: {  	s3 =	sadd.s32 $0x80, s3  }
0x67: {  	s1 =	sand.u32 $0x1F, s1;
	s2 =	sand.u32 $0x380, s3;
	s0 =	sshra.s32 s0, $0x2  }
0x68: {  	s6 =	smul.u32 $0xC0, s1;
	s1 =	smov.u32 s4;
	s0 =	sor.u32 s2, s0  }
0x69: {  	[tilespmem:s0+$0x2000] =	vst v1  }
0x6a: {  	v1 =	vld [tilespmem:s6+$0x180];
	_ =	sdelay $0x4  }
0x6b: {  	[tilespmem:s0+$0x2440] =	vst v1  }
0x6c: {  	v1 =	vld [tilespmem:s5+$0x10];
	_ =	sdelay $0x4  }
0x6d: {  	[tilespmem:s0+$0x2010] =	vst v1  }
0x6e: {  	v1 =	vld [tilespmem:s6+$0x190];
	_ =	sdelay $0x4  }
0x6f: {  	[tilespmem:s0+$0x2450] =	vst v1  }
0x70: {  	v1 =	vld [tilespmem:s5+$0x20];
	_ =	sdelay $0x4  }
0x71: {  	[tilespmem:s0+$0x2020] =	vst v1  }
0x72: {  	v1 =	vld [tilespmem:s6+$0x1A0];
	_ =	sdelay $0x4  }
0x73: {  	[tilespmem:s0+$0x2460] =	vst v1  }
0x74: {  	v1 =	vld [tilespmem:s5+$0x30];
	_ =	sdelay $0x4  }
0x75: {  	[tilespmem:s0+$0x2030] =	vst v1  }
0x76: {  	v1 =	vld [tilespmem:s6+$0x1B0];
	_ =	sdelay $0x4  }
0x77: {  	[tilespmem:s0+$0x2470] =	vst v1  }
0x78: {  	v1 =	vld [tilespmem:s5+$0x40];
	_ =	sdelay $0x4  }
0x79: {  	[tilespmem:s0+$0x2040] =	vst v1  }
0x7a: {  	v1 =	vld [tilespmem:s6+$0x1C0];
	_ =	sdelay $0x4  }
0x7b: {  	[tilespmem:s0+$0x2800] =	vst v1  }
0x7c: {  	v1 =	vld [tilespmem:s5+$0x50];
	_ =	sdelay $0x4  }
0x7d: {  	[tilespmem:s0+$0x2050] =	vst v1  }
0x7e: {  	v1 =	vld [tilespmem:s6+$0x1D0];
	_ =	sdelay $0x4  }
0x7f: {  	[tilespmem:s0+$0x2810] =	vst v1  }
0x80: {  	v1 =	vld [tilespmem:s5+$0x60];
	_ =	sdelay $0x4  }
0x81: {  	[tilespmem:s0+$0x2060] =	vst v1  }
0x82: {  	v1 =	vld [tilespmem:s6+$0x1E0];
	_ =	sdelay $0x4  }
0x83: {  	[tilespmem:s0+$0x2820] =	vst v1  }
0x84: {  	v1 =	vld [tilespmem:s5+$0x70];
	_ =	sdelay $0x4  }
0x85: {  	[tilespmem:s0+$0x2070] =	vst v1  }
0x86: {  	v1 =	vld [tilespmem:s6+$0x1F0];
	_ =	sdelay $0x4  }
0x87: {  	s2 =	sand.u32 $0xC0, s5;
	[tilespmem:s0+$0x2830] =	vst v1  }
0x88: {  	v1 =	vld [tilespmem:s2+$0x80];
	_ =	sdelay $0x2  }
0x89: {  	s2 =	sadd.s32 $0x80, s6  }
0x8a: {  	s7 =	sand.u32 $0x40, s6;
	s2 =	sand.u32 $0x3F80, s2  }
0x8b: {  	s2 =	sor.u32 s7, s2;
	[tilespmem:s0+$0x2400] =	vst v1  }
0x8c: {  	v1 =	vld [tilespmem:s2+$0x180];
	_ =	sdelay $0x4  }
0x8d: {  	[tilespmem:s0+$0x2840] =	vst v1  }
0x8e: {  	v1 =	vld [tilespmem:s5+$0x90];
	_ =	sdelay $0x4  }
0x8f: {  	[tilespmem:s0+$0x2410] =	vst v1  }
0x90: {  	v1 =	vld [tilespmem:s6+$0x210];
	_ =	sdelay $0x4  }
0x91: {  	[tilespmem:s0+$0x2850] =	vst v1  }
0x92: {  	v1 =	vld [tilespmem:s5+$0xA0];
	_ =	sdelay $0x4  }
0x93: {  	[tilespmem:s0+$0x2420] =	vst v1  }
0x94: {  	v1 =	vld [tilespmem:s6+$0x220];
	_ =	sdelay $0x4  }
0x95: {  	[tilespmem:s0+$0x2860] =	vst v1  }
0x96: {  	v1 =	vld [tilespmem:s5+$0xB0];
	_ =	sdelay $0x4  }
.Ltmp2:
0x97: {  	[tilespmem:s0+$0x2430] =	vst v1;
	(pc) =	sbr.rel @p1 .LBB2_2-.Ltmp2, $2  }
0x98: {  	v1 =	vld [tilespmem:s6+$0x230];
	_ =	sdelay $0x2  }
0x99: {  	s4 =	sadd.s32 $0x1, s4;
	s2 =	sshrl.u32 s1, $0x5  }
0x9a: {  	s2 =	smul.u32 $0xC0, s2  }
0x9b: {  	[tilespmem:s0+$0x2870] =	vst v1  }
0x9c: {  	s22 =	sshrl.u32 s1, $0x3;
	v1 =	vld [tilespmem:s2+$0x0]  }
0x9d: {  	s0 =	smul.u32 $0x3000, s22  }
0x9e: {  	s3 =	sadd.s32 $0x80, s3  }
0x9f: {  	s23 =	sand.u32 $0x1F, s1;
	s3 =	sand.u32 $0x380, s3;
	s0 =	sshra.s32 s0, $0x2  }
0xa0: {  	s1 =	smul.u32 $0xC0, s23;
	s0 =	sor.u32 s3, s0  }
0xa1: {  	[tilespmem:s0+$0x2000] =	vst v1  }
0xa2: {  	v1 =	vld [tilespmem:s1+$0x180];
	_ =	sdelay $0x4  }
0xa3: {  	[tilespmem:s0+$0x2440] =	vst v1  }
0xa4: {  	v1 =	vld [tilespmem:s2+$0x10];
	_ =	sdelay $0x4  }
0xa5: {  	[tilespmem:s0+$0x2010] =	vst v1  }
0xa6: {  	v1 =	vld [tilespmem:s1+$0x190];
	_ =	sdelay $0x4  }
0xa7: {  	[tilespmem:s0+$0x2450] =	vst v1  }
0xa8: {  	v1 =	vld [tilespmem:s2+$0x20];
	_ =	sdelay $0x4  }
0xa9: {  	[tilespmem:s0+$0x2020] =	vst v1  }
0xaa: {  	v1 =	vld [tilespmem:s1+$0x1A0];
	_ =	sdelay $0x4  }
0xab: {  	[tilespmem:s0+$0x2460] =	vst v1  }
0xac: {  	v1 =	vld [tilespmem:s2+$0x30];
	_ =	sdelay $0x4  }
0xad: {  	[tilespmem:s0+$0x2030] =	vst v1  }
0xae: {  	v1 =	vld [tilespmem:s1+$0x1B0];
	_ =	sdelay $0x4  }
0xaf: {  	[tilespmem:s0+$0x2470] =	vst v1  }
0xb0: {  	v1 =	vld [tilespmem:s2+$0x40];
	_ =	sdelay $0x4  }
0xb1: {  	[tilespmem:s0+$0x2040] =	vst v1  }
0xb2: {  	v1 =	vld [tilespmem:s1+$0x1C0];
	_ =	sdelay $0x4  }
0xb3: {  	[tilespmem:s0+$0x2800] =	vst v1  }
0xb4: {  	v1 =	vld [tilespmem:s2+$0x50];
	_ =	sdelay $0x4  }
0xb5: {  	[tilespmem:s0+$0x2050] =	vst v1  }
0xb6: {  	v1 =	vld [tilespmem:s1+$0x1D0];
	_ =	sdelay $0x4  }
0xb7: {  	[tilespmem:s0+$0x2810] =	vst v1  }
0xb8: {  	v1 =	vld [tilespmem:s2+$0x60];
	_ =	sdelay $0x4  }
0xb9: {  	[tilespmem:s0+$0x2060] =	vst v1  }
0xba: {  	v1 =	vld [tilespmem:s1+$0x1E0];
	_ =	sdelay $0x4  }
0xbb: {  	[tilespmem:s0+$0x2820] =	vst v1  }
0xbc: {  	v1 =	vld [tilespmem:s2+$0x70];
	_ =	sdelay $0x4  }
0xbd: {  	[tilespmem:s0+$0x2070] =	vst v1  }
0xbe: {  	v1 =	vld [tilespmem:s1+$0x1F0];
	_ =	sdelay $0x4  }
0xbf: {  	s25 =	sand.u32 $0xC0, s2;
	[tilespmem:s0+$0x2830] =	vst v1  }
0xc0: {  	v1 =	vld [tilespmem:s25+$0x80];
	_ =	sdelay $0x2  }
0xc1: {  	s26 =	sadd.s32 $0x80, s1  }
0xc2: {  	s4 =	sand.u32 $0x40, s1;
	s3 =	sand.u32 $0x3F80, s26  }
0xc3: {  	s3 =	sor.u32 s4, s3;
	[tilespmem:s0+$0x2400] =	vst v1  }
0xc4: {  	v1 =	vld [tilespmem:s3+$0x180];
	_ =	sdelay $0x4  }
0xc5: {  	[tilespmem:s0+$0x2840] =	vst v1  }
0xc6: {  	v1 =	vld [tilespmem:s2+$0x90];
	_ =	sdelay $0x4  }
0xc7: {  	[tilespmem:s0+$0x2410] =	vst v1  }
0xc8: {  	v1 =	vld [tilespmem:s1+$0x210];
	_ =	sdelay $0x4  }
0xc9: {  	[tilespmem:s0+$0x2850] =	vst v1  }
0xca: {  	v1 =	vld [tilespmem:s2+$0xA0];
	_ =	sdelay $0x4  }
0xcb: {  	[tilespmem:s0+$0x2420] =	vst v1  }
0xcc: {  	v1 =	vld [tilespmem:s1+$0x220];
	_ =	sdelay $0x4  }
0xcd: {  	[tilespmem:s0+$0x2860] =	vst v1  }
0xce: {  	v1 =	vld [tilespmem:s2+$0xB0];
	_ =	sdelay $0x4  }
0xcf: {  	[tilespmem:s0+$0x2430] =	vst v1  }
0xd0: {  	v1 =	vld [tilespmem:s1+$0x230];
	_ =	sdelay $0x2  }
0xd1: {  	s28 =	sld [smem:$0x7F9];
	_ =	sdelay $0x1  }
0xd2: {  	s29 =	simm.s32 $0x4;
	s3 =	simm.s32 $0x2000;
	[tilespmem:s0+$0x2870] =	vst v1  }
0xd3: {  	[spmem:s28] =	stream.linear.scatter [tilespmem:s3], [sflag:$0x4], $0x6000, $0x38;
	[tilespmem:$0x1A000] =	vst v63  }
0xd4: {  	_ =	swait.ge [sflag:s29], $0x6000  }
0xd5: {  	[sflag:s29] =	ssyncset.done $0x0  }
0xd6: {  	[sflag:s29] =	ssyncadd.s32 $0xFFFFA000  }
.Ltmp3:
0xd7: {  	[bflag:$0x0] =	sbarrier.arrive $0xFFFF;
	(pc) =	sbr.rel .LBB2_4-.Ltmp3, $3  }
0xd8: {  	s30 =	sld [smem:$0x7FA];
	_ =	sdelay $0x1  }
0xd9: {  	s31 =	simm.s32 $0x1980;
	s4 =	simm.s32 $0x0  }
0xda: {  	[tilespmem:s31], [sflag:$0x3] =	stream.linear.gather [hbm4b:s30+s4], $0x300, $0x38;
	[tilespmem:$0x1A000] =	vst v63  }
.LBB2_8:
0xdb: {  	s4 =	sadd.s32 $0x1, s4  }
0xdc: {  	p1 =	sne.s32 s4, $0x21  }
.Ltmp4:
0xdd: {  	_ = 	snop;
	(pc) =	sbr.rel @!p1 .LBB2_9-.Ltmp4, $2  }
0xde: {  	_ =	sdelay $0x2  }
0xdf: {  	s3 =	sadd.s32 $0x6000, s3  }
.LBB2_4:
0xe0: {  	s0 =	sshll.u32 s4, $0x5  }
0xe1: {  	s0 =	sor.u32 s10, s0  }
0xe2: {  	p1 =	sgt.u32 s0, $0x403  }
.Ltmp5:
0xe3: {  	_ = 	snop;
	(pc) =	sbr.rel @p1 .LBB2_8-.Ltmp5, $1  }
0xe4: {  	_ =	sdelay $0x3  }
0xe5: {  	s1 =	smulhi.u32 $0xAAAAAAAB, s4;
	_ =	sdelay $0x1  }
0xe6: {  	s1 =	sshrl.u32 s1, $0x1  }
0xe7: {  	s1 =	smul.u32 $0xFFFB8000, s1;
	_ =	sdelay $0x1  }
0xe8: {  	s1 =	sshra.s32 s1, $0x2  }
0xe9: {  	p1 =	sgt.u32 s0, $0x3E3;
	[smem:$0x7F4] =	sst s3;
	s1 =	sadd.s32 s1, s3  }
0xea: {  	s2 =	sadd.s32 @!p1 $0x1, s4;
	[dreg:$0x4] =	wrdreg s1  }
0xeb: {  	s3 =	sshll.u32 @!p1 s2, $0x5;
	s1 =	rddreg [dreg:$0x1d]  }
0xec: {  	s8 =	simm.s32 $0x3;
	s2 =	sand.u32 @!p1 $0x1, s2;
	s1 =	sor.u32 @!p1 s1, s3  }
0xed: {  	p2 =	seq.s32 @!p1 s2, $0x1;
	s2 =	simm.s32 @!p1 $0x1C80;
	s1 =	sshrl.u32 @!p1 s1, $0x2  }
0xee: {  	_ =	swait.ge [sflag:s8], $0x300;
	p2 =	por !p2, p1;
	s1 =	smul.u32 @!p1 $0x60, s1  }
0xef: {  	[sflag:s8] =	ssyncset.done $0x0;
	s2 =	simm.s32 @p2 $0x1980;
	s3 =	rddreg [dreg:$0x1e]  }
0xf0: {  	[sflag:s8] =	ssyncadd.s32 $0xFFFFFD00;
	s1 =	sadd.s32 @!p1 s3, s1;
	s3 =	simm.s32 @!p1 $0x0  }
0xf1: {  	[tilespmem:s2], [sflag:$0x3] =	stream.linear.gather @!p1 [hbm4b:s1+s3], $0x300, $0x38;
	[tilespmem:$0x1A000] =	vst v63  }
0xf2: {  	p1 =	slt.u32 s4, $0x3  }
0xf3: {  	s1 =	simm.s32 @!p1 $0x2  }
0xf4: {  	s9 =	sand.u32 $0x1, s4;
	_ =	swait.ge @!p1 [sflag:s1], $0x6000  }
0xf5: {  	p2 =	seq.s32 s9, $0x1;
	s2 =	simm.s32 $0x300;
	[sflag:s1] =	ssyncset.done @!p1 $0x0  }
0xf6: {  	s2 =	simm.s32 @!p2 $0x0;
	[sflag:s1] =	ssyncadd.s32 @!p1 $0xFFFFA000  }
0xf7: {  	v1 =	vld.idx.msk [tilespmem:v0+s2+$0x0 ss:$0x1], $0xffff  }
0xf8: {  	v2 =	vld.idx.msk [tilespmem:v0+s2+$0x80 ss:$0x1], $0xffff;
	_ =	sdelay $0x3  }
0xf9: {  	v1 =	vshll.u32 v1, $0x5  }
0xfa: {  	v1 =	vadd.s32 v2, v1  }
0xfb: {  	[tilespmem:$0x1F80] =	vst v1  }
0xfc: {  	v1 =	vld.idx.msk [tilespmem:v0+s2+$0x10 ss:$0x1], $0xffff  }
0xfd: {  	v2 =	vld.idx.msk [tilespmem:v0+s2+$0x90 ss:$0x1], $0xffff;
	_ =	sdelay $0x3  }
0xfe: {  	v1 =	vshll.u32 v1, $0x5  }
0xff: {  	v1 =	vadd.s32 v2, v1  }
0x100: {  	[tilespmem:$0x1F90] =	vst v1  }
0x101: {  	v1 =	vld.idx.msk [tilespmem:v0+s2+$0x20 ss:$0x1], $0xffff  }
0x102: {  	v2 =	vld.idx.msk [tilespmem:v0+s2+$0xA0 ss:$0x1], $0xffff;
	_ =	sdelay $0x3  }
0x103: {  	v1 =	vshll.u32 v1, $0x5  }
0x104: {  	v1 =	vadd.s32 v2, v1  }
0x105: {  	[tilespmem:$0x1FA0] =	vst v1  }
0x106: {  	v1 =	vld.idx.msk [tilespmem:v0+s2+$0x30 ss:$0x1], $0xffff  }
0x107: {  	v2 =	vld.idx.msk [tilespmem:v0+s2+$0xB0 ss:$0x1], $0xffff;
	_ =	sdelay $0x3  }
0x108: {  	v1 =	vshll.u32 v1, $0x5  }
0x109: {  	v1 =	vadd.s32 v2, v1  }
0x10a: {  	s10 =	simm.s32 $0x1F80;
	[tilespmem:$0x1FB0] =	vst v1  }
0x10b: {  	v1 =	vld [tilespmem:s10+$0x0];
	_ =	sdelay $0x4  }
0x10c: {  	(v2sf) =	vpush v1, $0x1  }
0x10d: {  	(v2sf) =	vpush v1, $0x0;
	_ =	sdelay $0x1  }
0x10e: {  	s11 =	smul.u32 $0xAB, s4;
	(v2sf) =	vpush v1, $0x5  }
0x10f: {  	(v2sf) =	vpush v1, $0x2  }
0x110: {  	s1 =	sshrl.u32 s11, $0x9  }
0x111: {  	s1 =	sand.u32 $0x7F, s1  }
0x112: {  	p6 =	seq.s32 s0, $0x0;
	s14 =	sshrl.u32 s0, $0x2;
	s1 =	smul.u32 $0x3, s1  }
0x113: {  	s26 =	simm.s32 $0x6000;
	s28 =	simm.s32 $0x1F90;
	[smem:$0x7F5] =	sst s4  }
0x114: {  	s12 =	rddreg [dreg:$0x4];
	p1 =	por !p0, !p6;
	s1 =	ssub.s32 s4, s1  }
0x115: {  	s25 =	sadd.s32 $0x0, s12;
	p1 =	por !p1, !p1;
	s1 =	sand.u32 $0xFF, s1  }
0x116: {  	s16 =	sadd.s32 $0x800, s25;
	s17 =	sadd.s32 $0x400, s25;
	s1 =	smul.u32 $0x18000, s1  }
0x117: {  	s6 =	sadd.s32 $0x880, s25;
	s29 =	sadd.s32 $0x80, s25;
	s30 =	sadd.s32 $0x480, s25  }
0x118: {  	s9 =	sadd.s32 $0x100, s25;
	s1 =	sshrl.u32 s1, $0x2;
	s2 =	simm.s32 $0x1  }
0x119: {  	s7 =	sadd.s32 $0x900, s25;
	s1 =	sadd.s32 $0x2000, s1;
	s2 =	simm.s32 @!p1 $0x0  }
0x11a: {  	[smem:$0x7F7] =	sst s1;
	s0 =	ssub.s32 s14, s2;
	s13 =	spop (v2sf)  }
0x11b: {  	[smem:$0x7F6] =	sst s0;
	s10 =	sadd.s32 $0x500, s25;
	s5 =	spop (v2sf)  }
0x11c: {  	(v2sf) =	vpush v1, $0x3;
	s19 =	sshrl.u32 s13, $0x3;
	s20 =	sshll.u32 s13, $0x7;
	s15 =	sshrl.u32 s5, $0x3  }
0x11d: {  	s18 =	sshll.u32 s5, $0x7;
	s1 =	spop (v2sf);
	s0 =	smul.u32 $0x3000, s15  }
0x11e: {  	(v2sf) =	vpush v1, $0x4;
	s5 =	smul.u32 $0x3000, s19;
	s3 =	sand.u32 $0x380, s18;
	s31 =	spop (v2sf)  }
0x11f: {  	s18 =	sadd.s32 $0x180, s25;
	s11 =	sshrl.u32 s31, $0x3;
	s0 =	sshra.s32 s0, $0x2  }
0x120: {  	s21 =	sshra.s32 s5, $0x2;
	s5 =	smul.u32 $0x3000, s11;
	s0 =	sadd.s32 s0, s24  }
0x121: {  	s23 =	sadd.s32 s21, s24;
	s11 =	sadd.s32 $0x280, s25;
	s0 =	sadd.s32 s3, s0  }
0x122: {  	s3 =	sand.u32 $0x380, s20;
	s5 =	sshra.s32 s5, $0x2;
	s20 =	sadd.s32 $0x580, s25  }
0x123: {  	[tilespmem:s25], [sflag:$0x1] =	stream.linear.gather [spmem:s0], $0x80, $0x38;
	[tilespmem:$0x1A000] =	vst v63  }
0x124: {  	s22 =	sadd.s32 $0x400, s0;
	s0 =	sadd.s32 $0x800, s0;
	s2 =	sadd.s32 s3, s23  }
0x125: {  	s3 =	sshll.u32 s31, $0x7;
	s5 =	sadd.s32 s5, s24;
	s23 =	sadd.s32 $0x600, s25  }
0x126: {  	[tilespmem:s17], [sflag:$0x1] =	stream.linear.gather [spmem:s22], $0x80, $0x38;
	[tilespmem:$0x1A000] =	vst v63  }
0x127: {  	s31 =	sshrl.u32 s1, $0x3;
	s1 =	sshll.u32 s1, $0x7;
	s3 =	sand.u32 $0x380, s3  }
0x128: {  	[tilespmem:s16], [sflag:$0x1] =	stream.linear.gather [spmem:s0], $0x80, $0x38;
	[tilespmem:$0x1A000] =	vst v63  }
0x129: {  	s8 =	sadd.s32 $0x400, s2;
	s1 =	sand.u32 $0x380, s1;
	s3 =	sadd.s32 s3, s5  }
0x12a: {  	[tilespmem:s29], [sflag:$0x1] =	stream.linear.gather [spmem:s2], $0x80, $0x38;
	[tilespmem:$0x1A000] =	vst v63  }
0x12b: {  	s17 =	sadd.s32 $0x400, s3;
	s2 =	sadd.s32 $0x800, s2;
	s12 =	spop (v2sf)  }
0x12c: {  	[tilespmem:s30], [sflag:$0x1] =	stream.linear.gather [spmem:s8], $0x80, $0x38;
	[tilespmem:$0x1A000] =	vst v63  }
0x12d: {  	s29 =	sadd.s32 $0x980, s25;
	s13 =	sshrl.u32 s12, $0x3;
	s14 =	spop (v2sf)  }
0x12e: {  	s15 =	sshll.u32 s12, $0x7;
	s30 =	sadd.s32 $0x200, s25;
	s8 =	smul.u32 $0x3000, s31  }
0x12f: {  	[tilespmem:s6], [sflag:$0x1] =	stream.linear.gather [spmem:s2], $0x80, $0x38;
	[tilespmem:$0x1A000] =	vst v63  }
0x130: {  	s0 =	sand.u32 $0x380, s15;
	s19 =	sshrl.u32 s14, $0x3;
	s5 =	sshll.u32 s14, $0x7  }
0x131: {  	(v2sf) =	vpush v1, $0x6;
	[tilespmem:s9], [sflag:$0x1] =	stream.linear.gather [spmem:s3], $0x80, $0x38;
	[tilespmem:$0x1A000] =	vst v63  }
0x132: {  	(v2sf) =	vpush v1, $0x7;
	s14 =	sadd.s32 $0xA80, s25;
	s15 =	sadd.s32 $0x700, s25;
	s6 =	smul.u32 $0x3000, s13  }
0x133: {  	[tilespmem:s10], [sflag:$0x1] =	stream.linear.gather [spmem:s17], $0x80, $0x38;
	[tilespmem:$0x1A000] =	vst v63  }
0x134: {  	s21 =	smul.u32 $0x3000, s19;
	s16 =	sshra.s32 s6, $0x2;
	s3 =	sadd.s32 $0x800, s3  }
0x135: {  	(v2sf) =	vpush v1, $0x8;
	[tilespmem:s7], [sflag:$0x1] =	stream.linear.gather [spmem:s3], $0x80, $0x38;
	[tilespmem:$0x1A000] =	vst v63  }
0x136: {  	s5 =	sand.u32 $0x380, s5;
	s2 =	sadd.s32 s16, s24;
	s3 =	sshra.s32 s21, $0x2  }
0x137: {  	s13 =	sadd.s32 $0x680, s25;
	s0 =	sadd.s32 s0, s2;
	s3 =	sadd.s32 s3, s24  }
0x138: {  	[tilespmem:s18], [sflag:$0x1] =	stream.linear.gather [spmem:s0], $0x80, $0x38;
	[tilespmem:$0x1A000] =	vst v63  }
0x139: {  	s2 =	sadd.s32 $0xB00, s25;
	s3 =	sadd.s32 s5, s3;
	s5 =	sshra.s32 s8, $0x2  }
0x13a: {  	s22 =	sadd.s32 $0x400, s0;
	s7 =	sadd.s32 $0xA00, s25;
	s5 =	sadd.s32 s5, s24  }
0x13b: {  	[tilespmem:s20], [sflag:$0x1] =	stream.linear.gather [spmem:s22], $0x80, $0x38;
	[tilespmem:$0x1A000] =	vst v63  }
0x13c: {  	s0 =	sadd.s32 $0x800, s0;
	s8 =	sadd.s32 $0xC00, s25;
	s1 =	sadd.s32 s1, s5  }
0x13d: {  	[tilespmem:s29], [sflag:$0x1] =	stream.linear.gather [spmem:s0], $0x80, $0x38;
	[tilespmem:$0x1A000] =	vst v63  }
0x13e: {  	s9 =	sadd.s32 $0x400, s3;
	s20 =	sadd.s32 $0x300, s25;
	s5 =	sadd.s32 $0x400, s1  }
0x13f: {  	[tilespmem:s30], [sflag:$0x1] =	stream.linear.gather [spmem:s3], $0x80, $0x38;
	[tilespmem:$0x1A000] =	vst v63  }
0x140: {  	s29 =	sadd.s32 $0x380, s25;
	s10 =	spop (v2sf);
	s3 =	sadd.s32 $0x800, s3  }
0x141: {  	s12 =	sshrl.u32 s10, $0x3;
	s4 =	sshll.u32 s10, $0x7;
	s16 =	spop (v2sf)  }
0x142: {  	(v2sf) =	vpush v1, $0x9;
	s30 =	sadd.s32 $0x780, s25;
	s18 =	sshrl.u32 s16, $0x3;
	s19 =	sand.u32 $0x380, s4  }
0x143: {  	[tilespmem:s23], [sflag:$0x1] =	stream.linear.gather [spmem:s9], $0x80, $0x38;
	[tilespmem:$0x1A000] =	vst v63  }
0x144: {  	s21 =	sshll.u32 s16, $0x7;
	s31 =	spop (v2sf);
	s23 =	sadd.s32 $0x1400, s25  }
0x145: {  	[tilespmem:s7], [sflag:$0x1] =	stream.linear.gather [spmem:s3], $0x80, $0x38;
	[tilespmem:$0x1A000] =	vst v63  }
0x146: {  	s9 =	sadd.s32 $0x1000, s25;
	s10 =	sshrl.u32 s31, $0x3;
	s3 =	smul.u32 $0x3000, s12  }
0x147: {  	(v2sf) =	vpush v1, $0xA;
	[tilespmem:s11], [sflag:$0x1] =	stream.linear.gather [spmem:s1], $0x80, $0x38;
	[tilespmem:$0x1A000] =	vst v63  }
0x148: {  	s12 =	sshll.u32 s31, $0x7;
	s31 =	sadd.s32 $0x1480, s25;
	s3 =	sshra.s32 s3, $0x2  }
0x149: {  	[tilespmem:s13], [sflag:$0x1] =	stream.linear.gather [spmem:s5], $0x80, $0x38;
	[tilespmem:$0x1A000] =	vst v63  }
0x14a: {  	s1 =	sadd.s32 $0x800, s1;
	s17 =	sadd.s32 s3, s24;
	s5 =	smul.u32 $0x3000, s10  }
0x14b: {  	[tilespmem:s14], [sflag:$0x1] =	stream.linear.gather [spmem:s1], $0x80, $0x38;
	[tilespmem:$0x1A000] =	vst v63  }
0x14c: {  	s11 =	sadd.s32 $0xB80, s25;
	s0 =	sadd.s32 s19, s17;
	s1 =	smul.u32 $0x3000, s18  }
0x14d: {  	[tilespmem:s20], [sflag:$0x1] =	stream.linear.gather [spmem:s0], $0x80, $0x38;
	[tilespmem:$0x1A000] =	vst v63  }
0x14e: {  	s3 =	sand.u32 $0x380, s21;
	s10 =	sadd.s32 $0x1580, s25;
	s1 =	sshra.s32 s1, $0x2  }
0x14f: {  	s22 =	sadd.s32 $0x400, s0;
	s13 =	sshra.s32 s5, $0x2;
	s1 =	sadd.s32 s1, s24  }
0x150: {  	[tilespmem:s15], [sflag:$0x1] =	stream.linear.gather [spmem:s22], $0x80, $0x38;
	[tilespmem:$0x1A000] =	vst v63  }
0x151: {  	s0 =	sadd.s32 $0x800, s0;
	s1 =	sadd.s32 s3, s1;
	s14 =	spop (v2sf)  }
0x152: {  	s3 =	sadd.s32 s13, s24;
	s22 =	sadd.s32 $0xC80, s25;
	s13 =	sadd.s32 $0x1500, s25  }
0x153: {  	[tilespmem:s2], [sflag:$0x1] =	stream.linear.gather [spmem:s0], $0x80, $0x38;
	[tilespmem:$0x1A000] =	vst v63  }
0x154: {  	(v2sf) =	vpush v1, $0xB;
	s7 =	sadd.s32 $0x400, s1;
	s15 =	sshrl.u32 s14, $0x3;
	s16 =	sshll.u32 s14, $0x7  }
0x155: {  	[tilespmem:s29], [sflag:$0x1] =	stream.linear.gather [spmem:s1], $0x80, $0x38;
	[tilespmem:$0x1A000] =	vst v63  }
0x156: {  	s19 =	spop (v2sf);
	s17 =	smul.u32 $0x3000, s15;
	s20 =	sand.u32 $0x380, s16  }
0x157: {  	[tilespmem:s30], [sflag:$0x1] =	stream.linear.gather [spmem:s7], $0x80, $0x38;
	[tilespmem:$0x1A000] =	vst v63  }
0x158: {  	s4 =	sshll.u32 s19, $0x7;
	s1 =	sadd.s32 $0x800, s1;
	s5 =	sshra.s32 s17, $0x2  }
0x159: {  	[tilespmem:s11], [sflag:$0x1] =	stream.linear.gather [spmem:s1], $0x80, $0x38;
	[tilespmem:$0x1A000] =	vst v63  }
0x15a: {  	s29 =	sshrl.u32 s19, $0x3;
	s21 =	sadd.s32 s5, s24;
	s1 =	sand.u32 $0x380, s12  }
0x15b: {  	s2 =	smul.u32 $0x3000, s29;
	s5 =	sadd.s32 $0xD00, s25;
	s1 =	sadd.s32 s1, s3  }
0x15c: {  	(v2sf) =	vpush v1, $0xC;
	[tilespmem:s8], [sflag:$0x1] =	stream.linear.gather [spmem:s1], $0x80, $0x38;
	[tilespmem:$0x1A000] =	vst v63  }
0x15d: {  	s29 =	sadd.s32 $0x1200, s25;
	s30 =	sadd.s32 $0x1080, s25;
	s18 =	sadd.s32 $0x400, s1  }
0x15e: {  	[tilespmem:s9], [sflag:$0x1] =	stream.linear.gather [spmem:s18], $0x80, $0x38;
	[tilespmem:$0x1A000] =	vst v63  }
0x15f: {  	s7 =	sadd.s32 $0x1680, s25;
	s2 =	sshra.s32 s2, $0x2;
	s1 =	sadd.s32 $0x800, s1  }
0x160: {  	[tilespmem:s23], [sflag:$0x1] =	stream.linear.gather [spmem:s1], $0x80, $0x38;
	[tilespmem:$0x1A000] =	vst v63  }
0x161: {  	(v2sf) =	vpush v1, $0xD;
	s2 =	sadd.s32 s2, s24;
	s11 =	sadd.s32 $0x1180, s25;
	s23 =	sadd.s32 s20, s21  }
0x162: {  	[tilespmem:s22], [sflag:$0x1] =	stream.linear.gather [spmem:s23], $0x80, $0x38;
	[tilespmem:$0x1A000] =	vst v63  }
0x163: {  	s8 =	sadd.s32 $0x1100, s25;
	s9 =	spop (v2sf);
	s3 =	sadd.s32 $0x400, s23  }
0x164: {  	[tilespmem:s30], [sflag:$0x1] =	stream.linear.gather [spmem:s3], $0x80, $0x38;
	[tilespmem:$0x1A000] =	vst v63  }
0x165: {  	s18 =	sadd.s32 $0xD80, s25;
	s1 =	sadd.s32 $0x800, s23;
	s3 =	sand.u32 $0x380, s4  }
0x166: {  	[tilespmem:s31], [sflag:$0x1] =	stream.linear.gather [spmem:s1], $0x80, $0x38;
	[tilespmem:$0x1A000] =	vst v63  }
0x167: {  	s12 =	sshrl.u32 s9, $0x3;
	s14 =	sshll.u32 s9, $0x7;
	s6 =	sadd.s32 s3, s2  }
0x168: {  	[tilespmem:s5], [sflag:$0x1] =	stream.linear.gather [spmem:s6], $0x80, $0x38;
	[tilespmem:$0x1A000] =	vst v63  }
0x169: {  	s9 =	sadd.s32 $0xF00, s25;
	s4 =	smul.u32 $0x3000, s12;
	s3 =	sadd.s32 $0x400, s6  }
0x16a: {  	[tilespmem:s8], [sflag:$0x1] =	stream.linear.gather [spmem:s3], $0x80, $0x38;
	[tilespmem:$0x1A000] =	vst v63  }
0x16b: {  	s16 =	spop (v2sf);
	s1 =	sadd.s32 $0x800, s6;
	s15 =	sshra.s32 s4, $0x2  }
0x16c: {  	[tilespmem:s13], [sflag:$0x1] =	stream.linear.gather [spmem:s1], $0x80, $0x38;
	[tilespmem:$0x1A000] =	vst v63  }
0x16d: {  	s17 =	sshrl.u32 s16, $0x3;
	s2 =	sadd.s32 s15, s24;
	s1 =	sand.u32 $0x380, s14  }
0x16e: {  	s19 =	sshll.u32 s16, $0x7;
	s5 =	smul.u32 $0x3000, s17;
	s1 =	sadd.s32 s1, s2  }
0x16f: {  	[tilespmem:s18], [sflag:$0x1] =	stream.linear.gather [spmem:s1], $0x80, $0x38;
	[tilespmem:$0x1A000] =	vst v63  }
0x170: {  	s30 =	spop (v2sf);
	s5 =	sshra.s32 s5, $0x2;
	s20 =	sadd.s32 $0x400, s1  }
0x171: {  	[tilespmem:s11], [sflag:$0x1] =	stream.linear.gather [spmem:s20], $0x80, $0x38;
	[tilespmem:$0x1A000] =	vst v63  }
0x172: {  	s21 =	sadd.s32 s5, s24;
	s2 =	sand.u32 $0x380, s19;
	s1 =	sadd.s32 $0x800, s1  }
0x173: {  	[tilespmem:s10], [sflag:$0x1] =	stream.linear.gather [spmem:s1], $0x80, $0x38;
	[tilespmem:$0x1A000] =	vst v63  }
0x174: {  	s22 =	sadd.s32 $0xE00, s25;
	s31 =	sshrl.u32 s30, $0x3;
	s23 =	sadd.s32 s2, s21  }
0x175: {  	[tilespmem:s22], [sflag:$0x1] =	stream.linear.gather [spmem:s23], $0x80, $0x38;
	[tilespmem:$0x1A000] =	vst v63  }
0x176: {  	s3 =	sadd.s32 $0x400, s23;
	s2 =	sadd.s32 $0x800, s23;
	s11 =	sadd.s32 $0xE80, s25  }
0x177: {  	(v2sf) =	vpush v1, $0xE;
	[tilespmem:s29], [sflag:$0x1] =	stream.linear.gather [spmem:s3], $0x80, $0x38;
	[tilespmem:$0x1A000] =	vst v63  }
0x178: {  	(v2sf) =	vpush v1, $0xF;
	s10 =	sadd.s32 $0x1280, s25;
	s1 =	smul.u32 $0x3000, s31;
	s3 =	sshll.u32 s30, $0x7  }
.LBB2_6:
0x179: {  	_ =	sdelay $0x3  }
0x17a: {  	s4 =	sadd.s32 $0x1600, s25;
	s5 =	sshra.s32 s1, $0x2  }
0x17b: {  	[tilespmem:s4], [sflag:$0x1] =	stream.linear.gather [spmem:s2], $0x80, $0x38;
	[tilespmem:$0x1A000] =	vst v63  }
0x17c: {  	s3 =	sand.u32 $0x380, s3;
	s5 =	sadd.s32 s5, s24  }
0x17d: {  	s21 =	sadd.s32 s3, s5  }
0x17e: {  	[tilespmem:s11], [sflag:$0x1] =	stream.linear.gather [spmem:s21], $0x80, $0x38;
	[tilespmem:$0x1A000] =	vst v63  }
0x17f: {  	s0 =	sadd.s32 $0x400, s21  }
0x180: {  	[tilespmem:s10], [sflag:$0x1] =	stream.linear.gather [spmem:s0], $0x80, $0x38;
	[tilespmem:$0x1A000] =	vst v63  }
0x181: {  	s30 =	sadd.s32 $0x800, s21  }
0x182: {  	[tilespmem:s7], [sflag:$0x1] =	stream.linear.gather [spmem:s30], $0x80, $0x38;
	[tilespmem:$0x1A000] =	vst v63  }
0x183: {  	s20 =	smov.u32 s26;
	s12 =	sadd.s32 $0x1380, s25;
	s6 =	spop (v2sf)  }
0x184: {  	s13 =	sadd.s32 $0x1780, s25;
	s15 =	rddreg [dreg:$0x4];
	s8 =	sshrl.u32 s6, $0x3  }
0x185: {  	s14 =	sshra.s32 s20, $0x2;
	s23 =	spop (v2sf);
	s22 =	smul.u32 $0x3000, s8  }
0x186: {  	s11 =	sadd.s32 $0xF80, s25;
	s29 =	sshll.u32 s6, $0x7;
	s5 =	sshrl.u32 s23, $0x3  }
0x187: {  	s31 =	sand.u32 $0x380, s29;
	s2 =	smul.u32 $0x3000, s5;
	s3 =	sshra.s32 s22, $0x2  }
0x188: {  	s6 =	sshll.u32 s23, $0x7;
	s8 =	sadd.s32 $0x1300, s25;
	s3 =	sadd.s32 s3, s24  }
0x189: {  	s10 =	sand.u32 $0x380, s6;
	s2 =	sshra.s32 s2, $0x2;
	s3 =	sadd.s32 s31, s3  }
0x18a: {  	[tilespmem:s9], [sflag:$0x1] =	stream.linear.gather [spmem:s3], $0x80, $0x38;
	[tilespmem:$0x1A000] =	vst v63  }
0x18b: {  	s7 =	sadd.s32 $0x400, s3;
	s9 =	sadd.s32 $0x1700, s25;
	s25 =	sadd.s32 s14, s15  }
0x18c: {  	[tilespmem:s8], [sflag:$0x1] =	stream.linear.gather [spmem:s7], $0x80, $0x38;
	[tilespmem:$0x1A000] =	vst v63  }
0x18d: {  	s2 =	sadd.s32 s2, s24;
	s0 =	sadd.s32 $0x800, s3;
	s16 =	sadd.s32 $0x1680, s25  }
0x18e: {  	[tilespmem:s9], [sflag:$0x1] =	stream.linear.gather [spmem:s0], $0x80, $0x38;
	[tilespmem:$0x1A000] =	vst v63  }
0x18f: {  	s17 =	sadd.s32 $0xF00, s25;
	[dreg:$0x1a] =	wrdreg s16;
	s0 =	sadd.s32 s10, s2  }
0x190: {  	[tilespmem:s11], [sflag:$0x1] =	stream.linear.gather [spmem:s0], $0x80, $0x38;
	[tilespmem:$0x1A000] =	vst v63  }
0x191: {  	s18 =	sadd.s32 $0xA80, s25;
	[dreg:$0x17] =	wrdreg s17;
	s2 =	sadd.s32 $0x400, s0  }
0x192: {  	[tilespmem:s12], [sflag:$0x1] =	stream.linear.gather [spmem:s2], $0x80, $0x38;
	[tilespmem:$0x1A000] =	vst v63  }
0x193: {  	s19 =	sadd.s32 $0xE00, s25;
	[dreg:$0x18] =	wrdreg s18;
	s0 =	sadd.s32 $0x800, s0  }
0x194: {  	[tilespmem:s13], [sflag:$0x1] =	stream.linear.gather [spmem:s0], $0x80, $0x38;
	[tilespmem:$0x1A000] =	vst v63  }
0x195: {  	s20 =	sadd.s32 $0x1200, s25;
	[dreg:$0x6] =	wrdreg s19;
	v1 =	vld [tilespmem:s28+$0x0]  }
0x196: {  	s21 =	sadd.s32 $0x1400, s25;
	[dreg:$0x5] =	wrdreg s20  }
0x197: {  	s22 =	sadd.s32 $0x1080, s25;
	[dreg:$0xe] =	wrdreg s21  }
0x198: {  	s23 =	sadd.s32 $0x1580, s25;
	[dreg:$0xb] =	wrdreg s22  }
0x199: {  	s30 =	sadd.s32 $0xC00, s25;
	[dreg:$0x7] =	wrdreg s23  }
0x19a: {  	p1 =	sne.s32 s26, $0x12000;
	s31 =	sadd.s32 $0x1000, s25;
	[dreg:$0x12] =	wrdreg s30;
	(v2sf) =	vpush v1, $0x1  }
0x19b: {  	s26 =	sadd.s32 $0x6000, s26;
	s3 =	sadd.s32 $0x780, s25;
	[dreg:$0x11] =	wrdreg s31;
	(v2sf) =	vpush v1, $0x0  }
0x19c: {  	s29 =	sadd.s32 $0x800, s25;
	s4 =	sadd.s32 $0xB80, s25;
	[dreg:$0x15] =	wrdreg s3  }
0x19d: {  	s1 =	sadd.s32 $0xE80, s25;
	s5 =	sadd.s32 $0x700, s25;
	[dreg:$0x14] =	wrdreg s4;
	(v2sf) =	vpush v1, $0x5  }
0x19e: {  	s14 =	sadd.s32 $0x80, s25;
	s6 =	sadd.s32 $0xC80, s25;
	[dreg:$0x19] =	wrdreg s5  }
0x19f: {  	s15 =	sadd.s32 $0x1480, s25;
	s8 =	sadd.s32 $0x1280, s25;
	[dreg:$0x10] =	wrdreg s6;
	(v2sf) =	vpush v1, $0x2  }
0x1a0: {  	s21 =	sadd.s32 $0x280, s25;
	s7 =	sadd.s32 $0x300, s25;
	s19 =	sadd.s32 $0x480, s25;
	(v2sf) =	vpush v1, $0x3  }
0x1a1: {  	[dreg:$0xf] =	wrdreg s15;
	s16 =	sadd.s32 $0xD00, s25;
	s17 =	sadd.s32 $0x1100, s25  }
0x1a2: {  	s3 =	sadd.s32 $0xA00, s25;
	s22 =	sadd.s32 $0x680, s25;
	s5 =	sadd.s32 $0x580, s25  }
0x1a3: {  	s15 =	sadd.s32 $0x200, s25;
	s20 =	sadd.s32 $0x100, s25;
	[dreg:$0x1b] =	wrdreg s7;
	(v2sf) =	vpush v1, $0x4  }
0x1a4: {  	s4 =	sadd.s32 $0x500, s25;
	s6 =	sadd.s32 $0x900, s25;
	[dreg:$0xd] =	wrdreg s16  }
0x1a5: {  	[dreg:$0xc] =	wrdreg s17;
	s16 =	sadd.s32 $0x980, s25;
	s10 =	sadd.s32 $0x1180, s25  }
0x1a6: {  	s9 =	sadd.s32 $0x880, s25;
	[dreg:$0x8] =	wrdreg s10;
	s2 =	sadd.s32 $0x380, s25  }
0x1a7: {  	s10 =	sadd.s32 $0x180, s25;
	s12 =	sadd.s32 $0x1500, s25;
	[dreg:$0x16] =	wrdreg s2  }
0x1a8: {  	s11 =	sadd.s32 $0x400, s25;
	[dreg:$0xa] =	wrdreg s12;
	s2 =	sadd.s32 $0x600, s25  }
0x1a9: {  	s0 =	sadd.s32 $0xB00, s25;
	s13 =	sadd.s32 $0xD80, s25;
	s18 =	spop (v2sf)  }
0x1aa: {  	s28 =	sadd.s32 $0x10, s28;
	[dreg:$0x13] =	wrdreg s0;
	s12 =	spop (v2sf)  }
0x1ab: {  	[dreg:$0x9] =	wrdreg s13;
	s23 =	sshrl.u32 s18, $0x3;
	s17 =	sshrl.u32 s12, $0x3  }
0x1ac: {  	s7 =	sshll.u32 s18, $0x7;
	s13 =	spop (v2sf);
	s17 =	smul.u32 $0x3000, s17  }
0x1ad: {  	s12 =	sshll.u32 s12, $0x7;
	s18 =	smul.u32 $0x3000, s23;
	s7 =	sand.u32 $0x380, s7  }
0x1ae: {  	s30 =	spop (v2sf);
	s12 =	sand.u32 $0x380, s12;
	s17 =	sshra.s32 s17, $0x2  }
0x1af: {  	s31 =	sshrl.u32 s30, $0x3;
	s23 =	spop (v2sf);
	s17 =	sadd.s32 s17, s24  }
0x1b0: {  	s31 =	smul.u32 $0x3000, s31;
	s12 =	sadd.s32 s12, s17;
	s17 =	sshra.s32 s18, $0x2  }
0x1b1: {  	[tilespmem:s25], [sflag:$0x1] =	stream.linear.gather [spmem:s12], $0x80, $0x38;
	[tilespmem:$0x1A000] =	vst v63  }
0x1b2: {  	s0 =	spop (v2sf);
	s18 =	sshra.s32 s31, $0x2;
	s17 =	sadd.s32 s17, s24  }
0x1b3: {  	(v2sf) =	vpush v1, $0x6;
	s31 =	sadd.s32 $0x400, s12;
	s18 =	sadd.s32 s18, s24;
	s7 =	sadd.s32 s7, s17  }
0x1b4: {  	[tilespmem:s11], [sflag:$0x1] =	stream.linear.gather [spmem:s31], $0x80, $0x38;
	[tilespmem:$0x1A000] =	vst v63  }
0x1b5: {  	s17 =	sshrl.u32 s23, $0x3;
	s31 =	sadd.s32 $0x800, s12;
	s12 =	sshll.u32 s30, $0x7  }
0x1b6: {  	[tilespmem:s29], [sflag:$0x1] =	stream.linear.gather [spmem:s31], $0x80, $0x38;
	[tilespmem:$0x1A000] =	vst v63  }
0x1b7: {  	s30 =	sadd.s32 $0x400, s7;
	s11 =	smul.u32 $0x3000, s17;
	s12 =	sand.u32 $0x380, s12  }
0x1b8: {  	[tilespmem:s14], [sflag:$0x1] =	stream.linear.gather [spmem:s7], $0x80, $0x38;
	[tilespmem:$0x1A000] =	vst v63  }
0x1b9: {  	(v2sf) =	vpush v1, $0x7;
	s29 =	sshll.u32 s23, $0x7;
	s31 =	sshrl.u32 s0, $0x3;
	s0 =	sshll.u32 s0, $0x7  }
0x1ba: {  	[tilespmem:s19], [sflag:$0x1] =	stream.linear.gather [spmem:s30], $0x80, $0x38;
	[tilespmem:$0x1A000] =	vst v63  }
0x1bb: {  	s11 =	sshra.s32 s11, $0x2;
	s0 =	sand.u32 $0x380, s0;
	s30 =	sshll.u32 s13, $0x7  }
0x1bc: {  	s7 =	sadd.s32 $0x800, s7;
	s14 =	sadd.s32 s11, s24;
	s17 =	sand.u32 $0x380, s30  }
0x1bd: {  	[tilespmem:s9], [sflag:$0x1] =	stream.linear.gather [spmem:s7], $0x80, $0x38;
	[tilespmem:$0x1A000] =	vst v63  }
0x1be: {  	s9 =	sadd.s32 s12, s18;
	s18 =	smul.u32 $0x3000, s31;
	s7 =	rddreg [dreg:$0x1a]  }
0x1bf: {  	[tilespmem:s20], [sflag:$0x1] =	stream.linear.gather [spmem:s9], $0x80, $0x38;
	[tilespmem:$0x1A000] =	vst v63  }
0x1c0: {  	s12 =	sadd.s32 $0x400, s9;
	s19 =	sadd.s32 $0x800, s9;
	s20 =	sand.u32 $0x380, s29  }
0x1c1: {  	[tilespmem:s4], [sflag:$0x1] =	stream.linear.gather [spmem:s12], $0x80, $0x38;
	[tilespmem:$0x1A000] =	vst v63  }
0x1c2: {  	s11 =	sshra.s32 s18, $0x2;
	s31 =	spop (v2sf);
	s23 =	sadd.s32 s20, s14  }
0x1c3: {  	(v2sf) =	vpush v1, $0x8;
	[tilespmem:s6], [sflag:$0x1] =	stream.linear.gather [spmem:s19], $0x80, $0x38;
	[tilespmem:$0x1A000] =	vst v63  }
0x1c4: {  	s29 =	sshrl.u32 s13, $0x3;
	s11 =	sadd.s32 s11, s24;
	s9 =	sadd.s32 $0x400, s23  }
0x1c5: {  	[tilespmem:s10], [sflag:$0x1] =	stream.linear.gather [spmem:s23], $0x80, $0x38;
	[tilespmem:$0x1A000] =	vst v63  }
0x1c6: {  	s4 =	sadd.s32 $0x800, s23;
	s6 =	smul.u32 $0x3000, s29;
	s23 =	rddreg [dreg:$0x18]  }
0x1c7: {  	s14 =	sshrl.u32 s31, $0x3;
	s10 =	smov.u32 s8;
	s8 =	rddreg [dreg:$0x1b]  }
0x1c8: {  	s20 =	spop (v2sf);
	s12 =	sshra.s32 s6, $0x2;
	s6 =	rddreg [dreg:$0x12]  }
0x1c9: {  	[tilespmem:s5], [sflag:$0x1] =	stream.linear.gather [spmem:s9], $0x80, $0x38;
	[tilespmem:$0x1A000] =	vst v63  }
0x1ca: {  	s0 =	sadd.s32 s0, s11;
	s11 =	smov.u32 s1;
	s9 =	rddreg [dreg:$0x17]  }
0x1cb: {  	[tilespmem:s16], [sflag:$0x1] =	stream.linear.gather [spmem:s4], $0x80, $0x38;
	[tilespmem:$0x1A000] =	vst v63  }
0x1cc: {  	s13 =	sadd.s32 s12, s24;
	s5 =	smul.u32 $0x3000, s14;
	s14 =	rddreg [dreg:$0x19]  }
0x1cd: {  	(v2sf) =	vpush v1, $0x9;
	[tilespmem:s15], [sflag:$0x1] =	stream.linear.gather [spmem:s0], $0x80, $0x38;
	[tilespmem:$0x1A000] =	vst v63  }
0x1ce: {  	s18 =	sadd.s32 s17, s13;
	s17 =	rddreg [dreg:$0x13];
	s15 =	sadd.s32 $0x400, s0  }
0x1cf: {  	[tilespmem:s2], [sflag:$0x1] =	stream.linear.gather [spmem:s15], $0x80, $0x38;
	[tilespmem:$0x1A000] =	vst v63  }
0x1d0: {  	s16 =	sshll.u32 s31, $0x7;
	s5 =	sshra.s32 s5, $0x2;
	s0 =	sadd.s32 $0x800, s0  }
0x1d1: {  	[tilespmem:s3], [sflag:$0x1] =	stream.linear.gather [spmem:s0], $0x80, $0x38;
	[tilespmem:$0x1A000] =	vst v63  }
0x1d2: {  	s4 =	sadd.s32 $0x400, s18;
	s19 =	sadd.s32 s5, s24;
	s31 =	spop (v2sf)  }
0x1d3: {  	[tilespmem:s21], [sflag:$0x1] =	stream.linear.gather [spmem:s18], $0x80, $0x38;
	[tilespmem:$0x1A000] =	vst v63  }
0x1d4: {  	(v2sf) =	vpush v1, $0xA;
	s3 =	sshll.u32 s20, $0x7;
	s0 =	sadd.s32 $0x800, s18;
	s21 =	sshrl.u32 s20, $0x3  }
0x1d5: {  	s13 =	sshrl.u32 s31, $0x3;
	s15 =	sand.u32 $0x380, s3;
	s5 =	smul.u32 $0x3000, s21  }
0x1d6: {  	[tilespmem:s22], [sflag:$0x1] =	stream.linear.gather [spmem:s4], $0x80, $0x38;
	[tilespmem:$0x1A000] =	vst v63  }
0x1d7: {  	s21 =	rddreg [dreg:$0x16];
	s22 =	sand.u32 $0x380, s16;
	s16 =	smul.u32 $0x3000, s13  }
0x1d8: {  	(v2sf) =	vpush v1, $0xB;
	s13 =	rddreg [dreg:$0x11];
	s29 =	sadd.s32 s22, s19;
	s30 =	sshra.s32 s5, $0x2  }
0x1d9: {  	[tilespmem:s23], [sflag:$0x1] =	stream.linear.gather [spmem:s0], $0x80, $0x38;
	[tilespmem:$0x1A000] =	vst v63  }
0x1da: {  	s19 =	sshll.u32 s31, $0x7;
	s31 =	rddreg [dreg:$0x14];
	s12 =	sadd.s32 $0x400, s29  }
0x1db: {  	s2 =	sadd.s32 s30, s24;
	s0 =	sadd.s32 $0x800, s29;
	s20 =	sshra.s32 s16, $0x2  }
0x1dc: {  	s23 =	spop (v2sf);
	s1 =	sand.u32 $0x380, s19;
	s18 =	sadd.s32 s15, s2  }
0x1dd: {  	s2 =	sadd.s32 s20, s24;
	s30 =	sshrl.u32 s23, $0x3;
	s4 =	sshll.u32 s23, $0x7  }
0x1de: {  	[tilespmem:s8], [sflag:$0x1] =	stream.linear.gather [spmem:s29], $0x80, $0x38;
	[tilespmem:$0x1A000] =	vst v63  }
0x1df: {  	s23 =	rddreg [dreg:$0xf];
	s22 =	sadd.s32 $0x400, s18;
	s1 =	sadd.s32 s1, s2  }
0x1e0: {  	[tilespmem:s14], [sflag:$0x1] =	stream.linear.gather [spmem:s12], $0x80, $0x38;
	[tilespmem:$0x1A000] =	vst v63  }
0x1e1: {  	s29 =	rddreg [dreg:$0x15];
	s5 =	smul.u32 $0x3000, s30;
	s8 =	sadd.s32 $0x400, s1  }
0x1e2: {  	(v2sf) =	vpush v1, $0xC;
	[tilespmem:s17], [sflag:$0x1] =	stream.linear.gather [spmem:s0], $0x80, $0x38;
	[tilespmem:$0x1A000] =	vst v63  }
0x1e3: {  	s2 =	sshra.s32 s5, $0x2;
	s12 =	spop (v2sf);
	s14 =	rddreg [dreg:$0xe]  }
0x1e4: {  	[tilespmem:s21], [sflag:$0x1] =	stream.linear.gather [spmem:s18], $0x80, $0x38;
	[tilespmem:$0x1A000] =	vst v63  }
0x1e5: {  	s2 =	sadd.s32 s2, s24;
	s16 =	sshrl.u32 s12, $0x3;
	s0 =	sadd.s32 $0x800, s18  }
0x1e6: {  	[tilespmem:s29], [sflag:$0x1] =	stream.linear.gather [spmem:s22], $0x80, $0x38;
	[tilespmem:$0x1A000] =	vst v63  }
0x1e7: {  	s17 =	sshll.u32 s12, $0x7;
	s18 =	rddreg [dreg:$0x10];
	s20 =	spop (v2sf)  }
0x1e8: {  	[tilespmem:s31], [sflag:$0x1] =	stream.linear.gather [spmem:s0], $0x80, $0x38;
	[tilespmem:$0x1A000] =	vst v63  }
0x1e9: {  	s21 =	rddreg [dreg:$0xb];
	s30 =	sshll.u32 s20, $0x7;
	s22 =	sshrl.u32 s20, $0x3  }
0x1ea: {  	[tilespmem:s6], [sflag:$0x1] =	stream.linear.gather [spmem:s1], $0x80, $0x38;
	[tilespmem:$0x1A000] =	vst v63  }
0x1eb: {  	s20 =	rddreg [dreg:$0x8];
	s3 =	smul.u32 $0x3000, s22;
	s0 =	sadd.s32 $0x800, s1  }
0x1ec: {  	[tilespmem:s13], [sflag:$0x1] =	stream.linear.gather [spmem:s8], $0x80, $0x38;
	[tilespmem:$0x1A000] =	vst v63  }
0x1ed: {  	s31 =	sshra.s32 s3, $0x2;
	s1 =	sand.u32 $0x380, s4;
	s4 =	rddreg [dreg:$0xd]  }
0x1ee: {  	[tilespmem:s14], [sflag:$0x1] =	stream.linear.gather [spmem:s0], $0x80, $0x38;
	[tilespmem:$0x1A000] =	vst v63  }
0x1ef: {  	s15 =	sadd.s32 s1, s2;
	s1 =	smul.u32 $0x3000, s16;
	s2 =	sand.u32 $0x380, s17  }
0x1f0: {  	[tilespmem:s18], [sflag:$0x1] =	stream.linear.gather [spmem:s15], $0x80, $0x38;
	[tilespmem:$0x1A000] =	vst v63  }
0x1f1: {  	s6 =	spop (v2sf);
	s19 =	sadd.s32 $0x400, s15;
	s1 =	sshra.s32 s1, $0x2  }
0x1f2: {  	(v2sf) =	vpush v1, $0xD;
	[tilespmem:s21], [sflag:$0x1] =	stream.linear.gather [spmem:s19], $0x80, $0x38;
	[tilespmem:$0x1A000] =	vst v63  }
0x1f3: {  	s17 =	rddreg [dreg:$0x9];
	s0 =	sadd.s32 $0x800, s15;
	s1 =	sadd.s32 s1, s24  }
0x1f4: {  	[tilespmem:s23], [sflag:$0x1] =	stream.linear.gather [spmem:s0], $0x80, $0x38;
	[tilespmem:$0x1A000] =	vst v63  }
0x1f5: {  	s8 =	rddreg [dreg:$0xc];
	s12 =	sshrl.u32 s6, $0x3;
	s29 =	sadd.s32 s2, s1  }
0x1f6: {  	[tilespmem:s4], [sflag:$0x1] =	stream.linear.gather [spmem:s29], $0x80, $0x38;
	[tilespmem:$0x1A000] =	vst v63  }
0x1f7: {  	s13 =	rddreg [dreg:$0xa];
	s16 =	smul.u32 $0x3000, s12;
	s5 =	sadd.s32 $0x400, s29  }
0x1f8: {  	[tilespmem:s8], [sflag:$0x1] =	stream.linear.gather [spmem:s5], $0x80, $0x38;
	[tilespmem:$0x1A000] =	vst v63  }
0x1f9: {  	s2 =	sadd.s32 s31, s24;
	s1 =	sand.u32 $0x380, s30;
	s0 =	sadd.s32 $0x800, s29  }
0x1fa: {  	[tilespmem:s13], [sflag:$0x1] =	stream.linear.gather [spmem:s0], $0x80, $0x38;
	[tilespmem:$0x1A000] =	vst v63  }
0x1fb: {  	s31 =	rddreg [dreg:$0x5];
	s14 =	sadd.s32 s1, s2;
	s15 =	sshll.u32 s6, $0x7  }
0x1fc: {  	[tilespmem:s17], [sflag:$0x1] =	stream.linear.gather [spmem:s14], $0x80, $0x38;
	[tilespmem:$0x1A000] =	vst v63  }
0x1fd: {  	s2 =	sshra.s32 s16, $0x2;
	s18 =	sadd.s32 $0x400, s14;
	s1 =	sand.u32 $0x380, s15  }
0x1fe: {  	[tilespmem:s20], [sflag:$0x1] =	stream.linear.gather [spmem:s18], $0x80, $0x38;
	[tilespmem:$0x1A000] =	vst v63  }
0x1ff: {  	s2 =	sadd.s32 s2, s24;
	s21 =	rddreg [dreg:$0x7];
	s0 =	sadd.s32 $0x800, s14  }
0x200: {  	[tilespmem:s21], [sflag:$0x1] =	stream.linear.gather [spmem:s0], $0x80, $0x38;
	[tilespmem:$0x1A000] =	vst v63  }
.Ltmp6:
0x201: {  	s19 =	spop (v2sf);
	s22 =	sadd.s32 s1, s2;
	(pc) =	sbr.rel @p1 .LBB2_6-.Ltmp6, $4  }
0x202: {  	s3 =	sshll.u32 s19, $0x7;
	s23 =	sshrl.u32 s19, $0x3;
	s29 =	rddreg [dreg:$0x6]  }
0x203: {  	[tilespmem:s29], [sflag:$0x1] =	stream.linear.gather [spmem:s22], $0x80, $0x38;
	[tilespmem:$0x1A000] =	vst v63  }
0x204: {  	(v2sf) =	vpush v1, $0xE;
	s30 =	sadd.s32 $0x400, s22;
	s2 =	sadd.s32 $0x800, s22;
	s1 =	smul.u32 $0x3000, s23  }
0x205: {  	(v2sf) =	vpush v1, $0xF;
	[tilespmem:s31], [sflag:$0x1] =	stream.linear.gather [spmem:s30], $0x80, $0x38;
	[tilespmem:$0x1A000] =	vst v63  }
0x206: {  	_ =	sdelay $0x5  }
0x207: {  	s1 =	sshra.s32 s1, $0x2  }
0x208: {  	s0 =	sadd.s32 $0x1600, s25;
	s3 =	sand.u32 $0x380, s3;
	s1 =	sadd.s32 s1, s24  }
0x209: {  	[tilespmem:s0], [sflag:$0x1] =	stream.linear.gather [spmem:s2], $0x80, $0x38;
	[tilespmem:$0x1A000] =	vst v63  }
0x20a: {  	s13 =	sadd.s32 s3, s1  }
0x20b: {  	[tilespmem:s11], [sflag:$0x1] =	stream.linear.gather [spmem:s13], $0x80, $0x38;
	[tilespmem:$0x1A000] =	vst v63  }
0x20c: {  	s3 =	sadd.s32 $0x400, s13  }
0x20d: {  	[tilespmem:s10], [sflag:$0x1] =	stream.linear.gather [spmem:s3], $0x80, $0x38;
	[tilespmem:$0x1A000] =	vst v63  }
0x20e: {  	s4 =	spop (v2sf)  }
0x20f: {  	s5 =	sshrl.u32 s4, $0x3  }
0x210: {  	s19 =	sadd.s32 $0x1300, s25;
	s0 =	sadd.s32 $0x800, s13;
	s14 =	smul.u32 $0x3000, s5  }
0x211: {  	[tilespmem:s7], [sflag:$0x1] =	stream.linear.gather [spmem:s0], $0x80, $0x38;
	[tilespmem:$0x1A000] =	vst v63  }
0x212: {  	s15 =	spop (v2sf);
	s4 =	sshll.u32 s4, $0x7;
	s1 =	sshra.s32 s14, $0x2  }
0x213: {  	s16 =	sand.u32 $0x380, s4;
	s18 =	sshrl.u32 s15, $0x3;
	s1 =	sadd.s32 s1, s24  }
0x214: {  	s20 =	sadd.s32 $0x1700, s25;
	s17 =	sadd.s32 s16, s1;
	s1 =	smul.u32 $0x3000, s18  }
0x215: {  	[tilespmem:s9], [sflag:$0x1] =	stream.linear.gather [spmem:s17], $0x80, $0x38;
	[tilespmem:$0x1A000] =	vst v63  }
0x216: {  	s2 =	sshll.u32 s15, $0x7;
	s3 =	sadd.s32 $0x400, s17;
	s1 =	sshra.s32 s1, $0x2  }
0x217: {  	[tilespmem:s19], [sflag:$0x1] =	stream.linear.gather [spmem:s3], $0x80, $0x38;
	[tilespmem:$0x1A000] =	vst v63  }
0x218: {  	s21 =	sand.u32 $0x380, s2;
	s0 =	sadd.s32 $0x800, s17;
	s1 =	sadd.s32 s1, s24  }
0x219: {  	[tilespmem:s20], [sflag:$0x1] =	stream.linear.gather [spmem:s0], $0x80, $0x38;
	[tilespmem:$0x1A000] =	vst v63  }
0x21a: {  	s22 =	sadd.s32 $0xF80, s25;
	s0 =	sadd.s32 s21, s1  }
0x21b: {  	[tilespmem:s22], [sflag:$0x1] =	stream.linear.gather [spmem:s0], $0x80, $0x38;
	[tilespmem:$0x1A000] =	vst v63  }
0x21c: {  	s23 =	sadd.s32 $0x1380, s25;
	s25 =	sadd.s32 $0x1780, s25;
	s1 =	sadd.s32 $0x400, s0  }
0x21d: {  	[tilespmem:s23], [sflag:$0x1] =	stream.linear.gather [spmem:s1], $0x80, $0x38;
	[tilespmem:$0x1A000] =	vst v63  }
0x21e: {  	s26 =	sld [smem:$0x7F6];
	s28 =	simm.s32 $0x1;
	s0 =	sadd.s32 $0x800, s0  }
0x21f: {  	[tilespmem:s25], [sflag:$0x1] =	stream.linear.gather [spmem:s0], $0x80, $0x38;
	[tilespmem:$0x1A000] =	vst v63  }
0x220: {  	_ =	swait.ge [sflag:s28], $0x6000  }
0x221: {  	s29 =	sld [smem:$0x7FB]  }
0x222: {  	s2 =	smul.u32 $0x18C00, s26;
	s31 =	sld [smem:$0x7F7]  }
.Ltmp7:
0x223: {  	[sflag:s28] =	ssyncset.done $0x0;
	s10 =	rddreg [dreg:$0x1f];
	(pc) =	sbr.rel .LBB2_8-.Ltmp7, $4  }
0x224: {  	s4 =	sld [smem:$0x7F5];
	[sflag:s28] =	ssyncadd.s32 $0xFFFFA000;
	s0 =	sadd.s32 s29, s2  }
0x225: {  	s1 =	rddreg [dreg:$0x1];
	s0 =	sshrl.u32 s0, $0x3  }
0x226: {  	s30 =	simm.s32 $0x0;
	s3 =	sld [smem:$0x7F4];
	s0 =	sadd.s32 s1, s0  }
0x227: {  	[hbm4b:s0+s30] =	stream.linear.scatter [tilespmem:s31], [sflag:$0x2], $0x6000, $0x38;
	[tilespmem:$0x1A000] =	vst v63  }
.LBB2_10:
0x228: {  	_ =	sfence.sel $0x180000  }
0x229: {  	[bflag:$0x0] =	sbarrier.arrive $0xFFFF  }
0x22a: {  	_ =	strace $0x90000047  }
0x22b: {  	s0 =	stileid.u32;
	[bflag:$0x2] =	sbarrier.arrive $0xFFFF  }
0x22c: {  	p0 =	sne.s32 s0, $0x0;
	s0 =	rddreg [dreg:$0x3]  }
0x22d: {  	s0 =	sadd.s32 @!p0 $0x100000, s0  }
0x22e: {  	[sflag:s0] =	ssyncadd.tile.s32 @!p0 $0x1;
	_ =	shalt  }
.Lfunc_end2:
_tile_overlayer_lowered:
.L_overlay_start_2:
0x22f: {  	(tag) =	ssettag $0x2  }
0x230: {  	s0 =	rddreg [dreg:$0x0];
	s2 =	stileid.u32  }
0x231: {  	s1 =	rddreg [dreg:$0x1];
	p0 =	sne.s32 s2, $0x0  }
0x232: {  	s3 =	rddreg [dreg:$0x2];
	[bflag:$0x3] =	sbarrier.arrive $0xFFFF;
	s2 =	simm.s32 @!p0 $0x1C04  }
0x233: {  	[timem:s3], [sflag:s2] =	dma.local @!p0 [hbm:s0], s1  }
0x234: {  	s0 =	simm.s32 @!p0 $0x4  }
0x235: {  	_ =	swait.ge @!p0 [sflag:s0], s1  }
0x236: {  	s1 =	ssub.s32 @!p0 $0x0, s1;
	[sflag:s0] =	ssyncset.done @!p0 $0x0  }
0x237: {  	[sflag:s0] =	ssyncadd.s32 @!p0 s1  }
0x238: {  	[bflag:$0x3] =	sbarrier.arrive $0xFFFF  }
0x239: {  	_ =	shalt  }

</sc_bundles>
